<compile_context>
chip_gen: v7x
topology: tpu7x:2x2x1
jax: 0.10.2.dev20260603
libtpu: 0.0.44.dev20260713+nightly
codegen_flags: <defaults>
</compile_context>

<pallas_src>
import functools

import jax
import jax.numpy as jnp
from jax import lax
from jax.experimental import pallas as pl
from jax.experimental.pallas import tpu as pltpu
from jax.experimental.pallas import tpu_sc as plsc

BATCH = 4096
HIST = 50
D = 64
VOCAB = 100000

NC = 2
NS = 16
NW = NC * NS
DPW = D // NW
LANES = 16
NVEC = BATCH // LANES
UNROLL = 16
LSTEP = 2
NL = HIST // LSTEP

_mesh = plsc.VectorSubcoreMesh(core_axis_name="c", subcore_axis_name="s")


@functools.partial(
    pl.kernel,
    mesh=_mesh,
    out_type=jax.ShapeDtypeStruct((HIST, D // 8, BATCH // 128, 8, 128),
                                  jnp.float32),
    scratch_types=[
        pltpu.VMEM((VOCAB,), jnp.float32),
        pltpu.VMEM((2, LSTEP, BATCH), jnp.int32),
        pltpu.VMEM((LSTEP, BATCH // 128, 128), jnp.float32),
        pltpu.SemaphoreType.DMA,
        pltpu.SemaphoreType.DMA,
    ],
    compiler_params=pltpu.CompilerParams(
        use_tc_tiling_on_sc=True, needs_layout_passes=False
    ),
)
def _emb_tgather(tab_hbm, idx_hbm, out_hbm, row_v, idx_v, res_v,
                 sem_i, sem_o):
    wid = lax.axis_index("s") * NC + lax.axis_index("c")

    for d_i in range(DPW):
        d = wid * DPW + d_i
        d_hi = d // 8
        d_lo = d % 8
        pltpu.sync_copy(tab_hbm.at[d], row_v)
        pltpu.async_copy(idx_hbm.at[pl.ds(0, LSTEP)], idx_v.at[0], sem_i).wait()

        def body(k, carry):
            bi = k % 2
            @pl.when(k < NL - 1)
            def _pre():
                pltpu.make_async_copy(
                    idx_hbm.at[pl.ds((k + 1) * LSTEP, LSTEP)],
                    idx_v.at[1 - bi],
                    sem_i,
                ).start()

            for j in range(LSTEP):
                @pl.when(k >= 1)
                def _drain():
                    pltpu.make_async_copy(
                        res_v.at[j], out_hbm.at[0, d_hi, :, d_lo, :], sem_o
                    ).wait()

                @plsc.parallel_loop(0, NVEC, unroll=UNROLL)
                def _gather(c):
                    iv = idx_v[bi, j, pl.ds(c * LANES, LANES)]
                    g = plsc.load_gather(row_v, (iv,))
                    res_v[j, c >> 3, pl.ds((c & 7) * LANES, LANES)] = g

                pltpu.make_async_copy(
                    res_v.at[j],
                    out_hbm.at[k * LSTEP + j, d_hi, :, d_lo, :],
                    sem_o,
                ).start()

            @pl.when(k < NL - 1)
            def _wait_pre():
                pltpu.make_async_copy(
                    idx_hbm.at[pl.ds((k + 1) * LSTEP, LSTEP)],
                    idx_v.at[1 - bi],
                    sem_i,
                ).wait()

            return carry

        lax.fori_loop(0, NL, body, 0)

        for j in range(LSTEP):
            pltpu.make_async_copy(
                res_v.at[j], out_hbm.at[0, d_hi, :, d_lo, :], sem_o
            ).wait()


def kernel(indices, table):
    idx_t = indices.astype(jnp.int32).T
    tab_t = table.T
    out5 = _emb_tgather(tab_t, idx_t)
    return out5.transpose(2, 4, 0, 1, 3).reshape(BATCH, HIST, D)

# --- scband reference (transcript-rebuilt; emitter-appended) ---
"""Pipeline reference for scband-base-decoder-42434276884535 (READ-ONLY COPY).

The authoritative reference and input builder live on the scoring server;
editing this copy changes nothing except your own understanding.
"""

import jax, jax.numpy as jnp
import numpy as np

VOCAB = 100000
EMBED_DIM = 64
BATCH = 4096
HIST_LEN = 50

def setup_inputs(seed: int = 0) -> dict:
    key = jax.random.key(seed)
    k_idx, k_tab = jax.random.split(key)
    indices = jax.random.randint(k_idx, (BATCH, HIST_LEN), 0, VOCAB, dtype=jnp.int64 if jax.config.jax_enable_x64 else jnp.int32)
    # embedding table ~ nn.Embedding default init N(0, 1)
    table = jax.random.normal(k_tab, (VOCAB, EMBED_DIM), dtype=jnp.float32)
    return {"indices": indices, "table": table}

def reference(indices, table):
    # BaseDecoder embedding path: self.dropout(self.embedding(x)); dropout is identity in eval mode
    emb = jnp.take(table, indices, axis=0)  # [B, L, D]
    return emb

if __name__ == "__main__":
    import jax
    _d = setup_inputs()
    print(jax.jit(kernel)(*tuple(_d.values())))

</pallas_src>

<mosaic_0001>
#map = affine_map<(d0, d1) -> (0, 0)>
#map1 = affine_map<(d0, d1) -> (0, 0, 0, 0, 0)>
module attributes {stable_mosaic.version = 14 : i64} {
  func.func @_emb_tgather(%arg0: i32, %arg1: i32, %arg2: memref<64x100000xf32, #tpu.memory_space<hbm>>, %arg3: memref<50x4096xi32, #tpu.memory_space<hbm>>, %arg4: memref<50x8x32x8x128xf32, #tpu.memory_space<hbm>>, %arg5: memref<100000xf32, #tpu.memory_space<vmem>>, %arg6: memref<2x2x4096xi32, #tpu.memory_space<vmem>>, %arg7: memref<2x32x128xf32, #tpu.memory_space<vmem>>, %arg8: memref<!tpu.dma_semaphore, #tpu.memory_space<semaphore_mem>>, %arg9: memref<!tpu.dma_semaphore, #tpu.memory_space<semaphore_mem>>) attributes {dimension_semantics = [#tpu.dimension_semantics<core_parallel>, #tpu.dimension_semantics<subcore_parallel>], iteration_bounds = array<i64: 2, 16>, scalar_prefetch = 0 : i64, scratch_operands = 5 : i64, tpu.core_type = #tpu.core_type<sc_vector_subcore>, window_params = [{transform_indices = #map}, {transform_indices = #map}, {transform_indices = #map1}]} {
    %mul3A = arith.constant 2 : i32
    %mul3A_0 = arith.muli %arg1, %mul3A : i32
    %add3A = arith.addi %mul3A_0, %arg0 : i32
    %mul3A_1 = arith.constant 2 : i32
    %mul3A_2 = arith.muli %add3A, %mul3A_1 : i32
    %add3A_3 = arith.constant 0 : i32
    %add3A_4 = arith.addi %mul3A_2, %add3A_3 : i32
    %jit3A = arith.constant 8 : i32
    %div3A = arith.divsi %add3A_4, %jit3A : i32
    %sign3A = arith.constant 0 : i32
    %sign3A_5 = arith.cmpi sgt, %add3A_4, %sign3A : i32
    %sign3A_6 = arith.extui %sign3A_5 : i1 to i32
    %sign3A_7 = arith.constant 0 : i32
    %sign3A_8 = arith.cmpi slt, %add3A_4, %sign3A_7 : i32
    %sign3A_9 = arith.extui %sign3A_8 : i1 to i32
    %sign3A_10 = arith.subi %sign3A_6, %sign3A_9 : i32
    %sign3A_11 = arith.constant 0 : i32
    %sign3A_12 = arith.cmpi sgt, %jit3A, %sign3A_11 : i32
    %sign3A_13 = arith.extui %sign3A_12 : i1 to i32
    %sign3A_14 = arith.constant 0 : i32
    %sign3A_15 = arith.cmpi slt, %jit3A, %sign3A_14 : i32
    %sign3A_16 = arith.extui %sign3A_15 : i1 to i32
    %sign3A_17 = arith.subi %sign3A_13, %sign3A_16 : i32
    %ne3A = arith.cmpi ne, %sign3A_10, %sign3A_17 : i32
    %rem3A = arith.remsi %add3A_4, %jit3A : i32
    %ne3A_18 = arith.constant 0 : i32
    %ne3A_19 = arith.cmpi ne, %rem3A, %ne3A_18 : i32
    %and3A = arith.andi %ne3A, %ne3A_19 : i1
    %sub3A = arith.constant 1 : i32
    %sub3A_20 = arith.subi %div3A, %sub3A : i32
    %select_n3A = arith.select %and3A, %sub3A_20, %div3A : i32
    %jit3A_21 = arith.constant 8 : i32
    %eq3A = arith.constant 0 : i32
    %eq3A_22 = arith.cmpi eq, %jit3A_21, %eq3A : i32
    %jit3A_23 = arith.constant 1 : i32
    %select_n3A_24 = arith.select %eq3A_22, %jit3A_23, %jit3A_21 : i32
    %rem3A_25 = arith.remsi %add3A_4, %select_n3A_24 : i32
    %ne3A_26 = arith.constant 0 : i32
    %ne3A_27 = arith.cmpi ne, %rem3A_25, %ne3A_26 : i32
    %lt3A = arith.constant 0 : i32
    %lt3A_28 = arith.cmpi slt, %rem3A_25, %lt3A : i32
    %lt3A_29 = arith.constant 0 : i32
    %lt3A_30 = arith.cmpi slt, %select_n3A_24, %lt3A_29 : i32
    %ne3A_31 = arith.xori %lt3A_28, %lt3A_30 : i1
    %and3A_32 = arith.andi %ne3A_31, %ne3A_27 : i1
    %add3A_33 = arith.addi %rem3A_25, %select_n3A_24 : i32
    %select_n3A_34 = arith.select %and3A_32, %add3A_33, %rem3A_25 : i32
    "tpu.region"() ({
      %run_scoped3A = tpu.sem_alloc : memref<!tpu.dma_semaphore, #tpu.memory_space<semaphore_mem>>
      %dma_start3A_220 = arith.constant 0 : i32
      %dma_start3A_221 = tpu.memref_slice %arg2[%add3A_4, %dma_start3A_220] : memref<64x100000xf32, #tpu.memory_space<hbm>> -> memref<1x100000xf32, #tpu.memory_space<hbm>>
      %dma_start3A_222 = tpu.memref_squeeze %dma_start3A_221 : memref<1x100000xf32, #tpu.memory_space<hbm>> -> memref<100000xf32, #tpu.memory_space<hbm>>
      %dma_start3A_223 = arith.constant 0 : i32
      %dma_start3A_224 = tpu.memref_slice %arg2[%add3A_4, %dma_start3A_223] : memref<64x100000xf32, #tpu.memory_space<hbm>> -> memref<1x100000xf32, #tpu.memory_space<hbm>>
      %dma_start3A_225 = tpu.memref_squeeze %dma_start3A_224 : memref<1x100000xf32, #tpu.memory_space<hbm>> -> memref<100000xf32, #tpu.memory_space<hbm>>
      tpu.enqueue_dma source(%dma_start3A_225 : memref<100000xf32, #tpu.memory_space<hbm>>) target(%arg5 : memref<100000xf32, #tpu.memory_space<vmem>>) target_semaphore(%run_scoped3A : memref<!tpu.dma_semaphore, #tpu.memory_space<semaphore_mem>>)
      %dma_wait3A_226 = arith.constant 0 : i32
      %dma_wait3A_227 = tpu.memref_slice %arg2[%add3A_4, %dma_wait3A_226] : memref<64x100000xf32, #tpu.memory_space<hbm>> -> memref<1x100000xf32, #tpu.memory_space<hbm>>
      %dma_wait3A_228 = tpu.memref_squeeze %dma_wait3A_227 : memref<1x100000xf32, #tpu.memory_space<hbm>> -> memref<100000xf32, #tpu.memory_space<hbm>>
      %dma_wait3A_229 = arith.constant 0 : i32
      %dma_wait3A_230 = tpu.memref_slice %arg2[%add3A_4, %dma_wait3A_229] : memref<64x100000xf32, #tpu.memory_space<hbm>> -> memref<1x100000xf32, #tpu.memory_space<hbm>>
      %dma_wait3A_231 = tpu.memref_squeeze %dma_wait3A_230 : memref<1x100000xf32, #tpu.memory_space<hbm>> -> memref<100000xf32, #tpu.memory_space<hbm>>
      tpu.wait_dma2 semaphore(%run_scoped3A : memref<!tpu.dma_semaphore, #tpu.memory_space<semaphore_mem>>) src(%dma_wait3A_231 : memref<100000xf32, #tpu.memory_space<hbm>>) dst(%arg5 : memref<100000xf32, #tpu.memory_space<vmem>>)
      tpu.yield
    }) : () -> ()
    %dma_start3A = arith.constant 0 : i32
    %dma_start3A_35 = arith.constant 0 : i32
    %dma_start3A_36 = arith.constant 0 : i32
    %dma_start3A_37 = tpu.memref_slice %arg6[%dma_start3A, %dma_start3A_35, %dma_start3A_36] : memref<2x2x4096xi32, #tpu.memory_space<vmem>> -> memref<1x2x4096xi32, #tpu.memory_space<vmem>>
    %dma_start3A_38 = tpu.memref_squeeze %dma_start3A_37 : memref<1x2x4096xi32, #tpu.memory_space<vmem>> -> memref<2x4096xi32, #tpu.memory_space<vmem>>
    %dma_start3A_39 = arith.constant 0 : i32
    %dma_start3A_40 = arith.constant 0 : i32
    %dma_start3A_41 = tpu.memref_slice %arg3[%dma_start3A_39, %dma_start3A_40] : memref<50x4096xi32, #tpu.memory_space<hbm>> -> memref<2x4096xi32, #tpu.memory_space<hbm>>
    %dma_start3A_42 = arith.constant 0 : i32
    %dma_start3A_43 = arith.constant 0 : i32
    %dma_start3A_44 = tpu.memref_slice %arg6[%dma_start3A, %dma_start3A_42, %dma_start3A_43] : memref<2x2x4096xi32, #tpu.memory_space<vmem>> -> memref<1x2x4096xi32, #tpu.memory_space<vmem>>
    %dma_start3A_45 = tpu.memref_squeeze %dma_start3A_44 : memref<1x2x4096xi32, #tpu.memory_space<vmem>> -> memref<2x4096xi32, #tpu.memory_space<vmem>>
    %dma_start3A_46 = arith.constant 0 : i32
    %dma_start3A_47 = arith.constant 0 : i32
    %dma_start3A_48 = tpu.memref_slice %arg3[%dma_start3A_46, %dma_start3A_47] : memref<50x4096xi32, #tpu.memory_space<hbm>> -> memref<2x4096xi32, #tpu.memory_space<hbm>>
    tpu.enqueue_dma source(%dma_start3A_48 : memref<2x4096xi32, #tpu.memory_space<hbm>>) target(%dma_start3A_45 : memref<2x4096xi32, #tpu.memory_space<vmem>>) target_semaphore(%arg8 : memref<!tpu.dma_semaphore, #tpu.memory_space<semaphore_mem>>)
    %dma_wait3A = arith.constant 0 : i32
    %dma_wait3A_49 = arith.constant 0 : i32
    %dma_wait3A_50 = arith.constant 0 : i32
    %dma_wait3A_51 = tpu.memref_slice %arg6[%dma_wait3A, %dma_wait3A_49, %dma_wait3A_50] : memref<2x2x4096xi32, #tpu.memory_space<vmem>> -> memref<1x2x4096xi32, #tpu.memory_space<vmem>>
    %dma_wait3A_52 = tpu.memref_squeeze %dma_wait3A_51 : memref<1x2x4096xi32, #tpu.memory_space<vmem>> -> memref<2x4096xi32, #tpu.memory_space<vmem>>
    %dma_wait3A_53 = arith.constant 0 : i32
    %dma_wait3A_54 = arith.constant 0 : i32
    %dma_wait3A_55 = tpu.memref_slice %arg3[%dma_wait3A_53, %dma_wait3A_54] : memref<50x4096xi32, #tpu.memory_space<hbm>> -> memref<2x4096xi32, #tpu.memory_space<hbm>>
    %dma_wait3A_56 = arith.constant 0 : i32
    %dma_wait3A_57 = arith.constant 0 : i32
    %dma_wait3A_58 = tpu.memref_slice %arg6[%dma_wait3A, %dma_wait3A_56, %dma_wait3A_57] : memref<2x2x4096xi32, #tpu.memory_space<vmem>> -> memref<1x2x4096xi32, #tpu.memory_space<vmem>>
    %dma_wait3A_59 = tpu.memref_squeeze %dma_wait3A_58 : memref<1x2x4096xi32, #tpu.memory_space<vmem>> -> memref<2x4096xi32, #tpu.memory_space<vmem>>
    %dma_wait3A_60 = arith.constant 0 : i32
    %dma_wait3A_61 = arith.constant 0 : i32
    %dma_wait3A_62 = tpu.memref_slice %arg3[%dma_wait3A_60, %dma_wait3A_61] : memref<50x4096xi32, #tpu.memory_space<hbm>> -> memref<2x4096xi32, #tpu.memory_space<hbm>>
    tpu.wait_dma2 semaphore(%arg8 : memref<!tpu.dma_semaphore, #tpu.memory_space<semaphore_mem>>) src(%dma_wait3A_62 : memref<2x4096xi32, #tpu.memory_space<hbm>>) dst(%dma_wait3A_59 : memref<2x4096xi32, #tpu.memory_space<vmem>>)
    %scan3A = arith.constant 0 : i32
    %scan3A_63 = arith.constant 0 : i32
    %scan3A_64 = arith.constant 25 : i32
    %scan3A_65 = arith.addi %scan3A_63, %scan3A_64 : i32
    %scan3A_66 = arith.constant 1 : i32
    scf.for %scan3A_220 = %scan3A_63 to %scan3A_65 step %scan3A_66  : i32 {
      %jit3A_221 = arith.constant 2 : i32
      %eq3A_222 = arith.constant 0 : i32
      %eq3A_223 = arith.cmpi eq, %jit3A_221, %eq3A_222 : i32
      %jit3A_224 = arith.constant 1 : i32
      %select_n3A_225 = arith.select %eq3A_223, %jit3A_224, %jit3A_221 : i32
      %rem3A_226 = arith.remsi %scan3A_220, %select_n3A_225 : i32
      %ne3A_227 = arith.constant 0 : i32
      %ne3A_228 = arith.cmpi ne, %rem3A_226, %ne3A_227 : i32
      %lt3A_229 = arith.constant 0 : i32
      %lt3A_230 = arith.cmpi slt, %rem3A_226, %lt3A_229 : i32
      %lt3A_231 = arith.constant 0 : i32
      %lt3A_232 = arith.cmpi slt, %select_n3A_225, %lt3A_231 : i32
      %ne3A_233 = arith.xori %lt3A_230, %lt3A_232 : i1
      %and3A_234 = arith.andi %ne3A_233, %ne3A_228 : i1
      %add3A_235 = arith.addi %rem3A_226, %select_n3A_225 : i32
      %select_n3A_236 = arith.select %and3A_234, %add3A_235, %rem3A_226 : i32
      %lt3A_237 = arith.constant 24 : i32
      %lt3A_238 = arith.cmpi slt, %scan3A_220, %lt3A_237 : i32
      %convert_element_type3A = arith.extui %lt3A_238 : i1 to i32
      %cond3A = arith.constant 0 : i32
      %cond3A_239 = arith.cmpi ne, %convert_element_type3A, %cond3A : i32
      scf.if %cond3A_239 {
        %add3A_301 = arith.constant 1 : i32
        %add3A_302 = arith.addi %scan3A_220, %add3A_301 : i32
        %mul3A_303 = arith.constant 2 : i32
        %mul3A_304 = arith.muli %add3A_302, %mul3A_303 : i32
        %sub3A_305 = arith.constant 1 : i32
        %sub3A_306 = arith.subi %sub3A_305, %select_n3A_236 : i32
        %dma_start3A_307 = arith.constant 0 : i32
        %dma_start3A_308 = arith.constant 0 : i32
        %dma_start3A_309 = tpu.memref_slice %arg6[%sub3A_306, %dma_start3A_307, %dma_start3A_308] : memref<2x2x4096xi32, #tpu.memory_space<vmem>> -> memref<1x2x4096xi32, #tpu.memory_space<vmem>>
        %dma_start3A_310 = tpu.memref_squeeze %dma_start3A_309 : memref<1x2x4096xi32, #tpu.memory_space<vmem>> -> memref<2x4096xi32, #tpu.memory_space<vmem>>
        %dma_start3A_311 = arith.constant 0 : i32
        %dma_start3A_312 = tpu.memref_slice %arg3[%mul3A_304, %dma_start3A_311] : memref<50x4096xi32, #tpu.memory_space<hbm>> -> memref<2x4096xi32, #tpu.memory_space<hbm>>
        %dma_start3A_313 = arith.constant 0 : i32
        %dma_start3A_314 = arith.constant 0 : i32
        %dma_start3A_315 = tpu.memref_slice %arg6[%sub3A_306, %dma_start3A_313, %dma_start3A_314] : memref<2x2x4096xi32, #tpu.memory_space<vmem>> -> memref<1x2x4096xi32, #tpu.memory_space<vmem>>
        %dma_start3A_316 = tpu.memref_squeeze %dma_start3A_315 : memref<1x2x4096xi32, #tpu.memory_space<vmem>> -> memref<2x4096xi32, #tpu.memory_space<vmem>>
        %dma_start3A_317 = arith.constant 0 : i32
        %dma_start3A_318 = tpu.memref_slice %arg3[%mul3A_304, %dma_start3A_317] : memref<50x4096xi32, #tpu.memory_space<hbm>> -> memref<2x4096xi32, #tpu.memory_space<hbm>>
        tpu.enqueue_dma source(%dma_start3A_318 : memref<2x4096xi32, #tpu.memory_space<hbm>>) target(%dma_start3A_316 : memref<2x4096xi32, #tpu.memory_space<vmem>>) target_semaphore(%arg8 : memref<!tpu.dma_semaphore, #tpu.memory_space<semaphore_mem>>)
      } else {
      }
      %ge3A = arith.constant 1 : i32
      %ge3A_240 = arith.cmpi sge, %scan3A_220, %ge3A : i32
      %convert_element_type3A_241 = arith.extui %ge3A_240 : i1 to i32
      %cond3A_242 = arith.constant 0 : i32
      %cond3A_243 = arith.cmpi ne, %convert_element_type3A_241, %cond3A_242 : i32
      scf.if %cond3A_243 {
        %dma_wait3A_301 = arith.constant 0 : i32
        %dma_wait3A_302 = arith.constant 0 : i32
        %dma_wait3A_303 = arith.constant 0 : i32
        %dma_wait3A_304 = arith.constant 0 : i32
        %dma_wait3A_305 = tpu.memref_slice %arg7[%dma_wait3A_301, %dma_wait3A_303, %dma_wait3A_304] : memref<2x32x128xf32, #tpu.memory_space<vmem>> -> memref<1x32x128xf32, #tpu.memory_space<vmem>>
        %dma_wait3A_306 = tpu.memref_squeeze %dma_wait3A_305 : memref<1x32x128xf32, #tpu.memory_space<vmem>> -> memref<32x128xf32, #tpu.memory_space<vmem>>
        %dma_wait3A_307 = arith.constant 0 : i32
        %dma_wait3A_308 = arith.constant 0 : i32
        %dma_wait3A_309 = tpu.memref_slice %arg4[%dma_wait3A_302, %select_n3A, %dma_wait3A_307, %select_n3A_34, %dma_wait3A_308] : memref<50x8x32x8x128xf32, #tpu.memory_space<hbm>> -> memref<1x1x32x1x128xf32, #tpu.memory_space<hbm>>
        %dma_wait3A_310 = tpu.memref_squeeze %dma_wait3A_309 : memref<1x1x32x1x128xf32, #tpu.memory_space<hbm>> -> memref<32x128xf32, #tpu.memory_space<hbm>>
        %dma_wait3A_311 = arith.constant 0 : i32
        %dma_wait3A_312 = arith.constant 0 : i32
        %dma_wait3A_313 = tpu.memref_slice %arg4[%dma_wait3A_302, %select_n3A, %dma_wait3A_311, %select_n3A_34, %dma_wait3A_312] : memref<50x8x32x8x128xf32, #tpu.memory_space<hbm>> -> memref<1x1x32x1x128xf32, #tpu.memory_space<hbm>>
        %dma_wait3A_314 = tpu.memref_squeeze %dma_wait3A_313 : memref<1x1x32x1x128xf32, #tpu.memory_space<hbm>> -> memref<32x128xf32, #tpu.memory_space<hbm>>
        %dma_wait3A_315 = arith.constant 0 : i32
        %dma_wait3A_316 = arith.constant 0 : i32
        %dma_wait3A_317 = tpu.memref_slice %arg7[%dma_wait3A_301, %dma_wait3A_315, %dma_wait3A_316] : memref<2x32x128xf32, #tpu.memory_space<vmem>> -> memref<1x32x128xf32, #tpu.memory_space<vmem>>
        %dma_wait3A_318 = tpu.memref_squeeze %dma_wait3A_317 : memref<1x32x128xf32, #tpu.memory_space<vmem>> -> memref<32x128xf32, #tpu.memory_space<vmem>>
        tpu.wait_dma2 semaphore(%arg9 : memref<!tpu.dma_semaphore, #tpu.memory_space<semaphore_mem>>) src(%dma_wait3A_318 : memref<32x128xf32, #tpu.memory_space<vmem>>) dst(%dma_wait3A_314 : memref<32x128xf32, #tpu.memory_space<hbm>>)
      } else {
      }
      %parallel_loop3A = arith.constant 0 : i32
      %parallel_loop3A_244 = arith.constant 256 : i32
      %parallel_loop3A_245 = arith.constant 1 : i32
      scf.for %parallel_loop3A_301 = %parallel_loop3A to %parallel_loop3A_244 step %parallel_loop3A_245  : i32 {
        %parallel_loop3A_302 = arith.constant 16 : i32
        %parallel_loop3A_303 = arith.muli %parallel_loop3A_301, %parallel_loop3A_302 : i32
        %parallel_loop3A_304 = arith.constant 0 : i32
        %parallel_loop3A_305 = arith.index_cast %select_n3A_236 : i32 to index
        %parallel_loop3A_306 = arith.index_cast %parallel_loop3A_304 : i32 to index
        %parallel_loop3A_307 = arith.index_cast %parallel_loop3A_303 : i32 to index
        %parallel_loop3A_308 = tpu.vector_load %arg6[%parallel_loop3A_305, %parallel_loop3A_306, %parallel_loop3A_307] {strides = array<i32>} : memref<2x2x4096xi32, #tpu.memory_space<vmem>>, vector<16xi32>,
        %parallel_loop3A_309 = tpu.vector_load_idx %arg5[%parallel_loop3A_308] : memref<100000xf32, #tpu.memory_space<vmem>>[vector<16xi32>], vector<16xf32>,
        %parallel_loop3A_310 = arith.constant 3 : i32
        %parallel_loop3A_311 = arith.shrsi %parallel_loop3A_301, %parallel_loop3A_310 : i32
        %parallel_loop3A_312 = arith.constant 7 : i32
        %parallel_loop3A_313 = arith.andi %parallel_loop3A_301, %parallel_loop3A_312 : i32
        %parallel_loop3A_314 = arith.constant 16 : i32
        %parallel_loop3A_315 = arith.muli %parallel_loop3A_313, %parallel_loop3A_314 : i32
        %parallel_loop3A_316 = arith.constant 0 : i32
        %parallel_loop3A_317 = arith.index_cast %parallel_loop3A_316 : i32 to index
        %parallel_loop3A_318 = arith.index_cast %parallel_loop3A_311 : i32 to index
        %parallel_loop3A_319 = arith.index_cast %parallel_loop3A_315 : i32 to index
        %parallel_loop3A_320 = tpu.vector_load %arg7[%parallel_loop3A_317, %parallel_loop3A_318, %parallel_loop3A_319] {strides = array<i32>} : memref<2x32x128xf32, #tpu.memory_space<vmem>>, vector<16xf32>,
        tpu.vector_store %arg7[%parallel_loop3A_317, %parallel_loop3A_318, %parallel_loop3A_319], %parallel_loop3A_309 {strides = array<i32>} : memref<2x32x128xf32, #tpu.memory_space<vmem>>, vector<16xf32>,
      } {sc.loop_unroll_factor = 16 : i64, sc.parallel_access}
      %mul3A_246 = arith.constant 2 : i32
      %mul3A_247 = arith.muli %scan3A_220, %mul3A_246 : i32
      %add3A_248 = arith.constant 0 : i32
      %add3A_249 = arith.addi %mul3A_247, %add3A_248 : i32
      %dma_start3A_250 = arith.constant 0 : i32
      %dma_start3A_251 = arith.constant 0 : i32
      %dma_start3A_252 = arith.constant 0 : i32
      %dma_start3A_253 = tpu.memref_slice %arg7[%dma_start3A_250, %dma_start3A_251, %dma_start3A_252] : memref<2x32x128xf32, #tpu.memory_space<vmem>> -> memref<1x32x128xf32, #tpu.memory_space<vmem>>
      %dma_start3A_254 = tpu.memref_squeeze %dma_start3A_253 : memref<1x32x128xf32, #tpu.memory_space<vmem>> -> memref<32x128xf32, #tpu.memory_space<vmem>>
      %dma_start3A_255 = arith.constant 0 : i32
      %dma_start3A_256 = arith.constant 0 : i32
      %dma_start3A_257 = tpu.memref_slice %arg4[%add3A_249, %select_n3A, %dma_start3A_255, %select_n3A_34, %dma_start3A_256] : memref<50x8x32x8x128xf32, #tpu.memory_space<hbm>> -> memref<1x1x32x1x128xf32, #tpu.memory_space<hbm>>
      %dma_start3A_258 = tpu.memref_squeeze %dma_start3A_257 : memref<1x1x32x1x128xf32, #tpu.memory_space<hbm>> -> memref<32x128xf32, #tpu.memory_space<hbm>>
      %dma_start3A_259 = arith.constant 0 : i32
      %dma_start3A_260 = arith.constant 0 : i32
      %dma_start3A_261 = tpu.memref_slice %arg4[%add3A_249, %select_n3A, %dma_start3A_259, %select_n3A_34, %dma_start3A_260] : memref<50x8x32x8x128xf32, #tpu.memory_space<hbm>> -> memref<1x1x32x1x128xf32, #tpu.memory_space<hbm>>
      %dma_start3A_262 = tpu.memref_squeeze %dma_start3A_261 : memref<1x1x32x1x128xf32, #tpu.memory_space<hbm>> -> memref<32x128xf32, #tpu.memory_space<hbm>>
      %dma_start3A_263 = arith.constant 0 : i32
      %dma_start3A_264 = arith.constant 0 : i32
      %dma_start3A_265 = tpu.memref_slice %arg7[%dma_start3A_250, %dma_start3A_263, %dma_start3A_264] : memref<2x32x128xf32, #tpu.memory_space<vmem>> -> memref<1x32x128xf32, #tpu.memory_space<vmem>>
      %dma_start3A_266 = tpu.memref_squeeze %dma_start3A_265 : memref<1x32x128xf32, #tpu.memory_space<vmem>> -> memref<32x128xf32, #tpu.memory_space<vmem>>
      tpu.enqueue_dma source(%dma_start3A_266 : memref<32x128xf32, #tpu.memory_space<vmem>>) target(%dma_start3A_262 : memref<32x128xf32, #tpu.memory_space<hbm>>) target_semaphore(%arg9 : memref<!tpu.dma_semaphore, #tpu.memory_space<semaphore_mem>>)
      %ge3A_267 = arith.constant 1 : i32
      %ge3A_268 = arith.cmpi sge, %scan3A_220, %ge3A_267 : i32
      %convert_element_type3A_269 = arith.extui %ge3A_268 : i1 to i32
      %cond3A_270 = arith.constant 0 : i32
      %cond3A_271 = arith.cmpi ne, %convert_element_type3A_269, %cond3A_270 : i32
      scf.if %cond3A_271 {
        %dma_wait3A_301 = arith.constant 1 : i32
        %dma_wait3A_302 = arith.constant 0 : i32
        %dma_wait3A_303 = arith.constant 0 : i32
        %dma_wait3A_304 = arith.constant 0 : i32
        %dma_wait3A_305 = tpu.memref_slice %arg7[%dma_wait3A_301, %dma_wait3A_303, %dma_wait3A_304] : memref<2x32x128xf32, #tpu.memory_space<vmem>> -> memref<1x32x128xf32, #tpu.memory_space<vmem>>
        %dma_wait3A_306 = tpu.memref_squeeze %dma_wait3A_305 : memref<1x32x128xf32, #tpu.memory_space<vmem>> -> memref<32x128xf32, #tpu.memory_space<vmem>>
        %dma_wait3A_307 = arith.constant 0 : i32
        %dma_wait3A_308 = arith.constant 0 : i32
        %dma_wait3A_309 = tpu.memref_slice %arg4[%dma_wait3A_302, %select_n3A, %dma_wait3A_307, %select_n3A_34, %dma_wait3A_308] : memref<50x8x32x8x128xf32, #tpu.memory_space<hbm>> -> memref<1x1x32x1x128xf32, #tpu.memory_space<hbm>>
        %dma_wait3A_310 = tpu.memref_squeeze %dma_wait3A_309 : memref<1x1x32x1x128xf32, #tpu.memory_space<hbm>> -> memref<32x128xf32, #tpu.memory_space<hbm>>
        %dma_wait3A_311 = arith.constant 0 : i32
        %dma_wait3A_312 = arith.constant 0 : i32
        %dma_wait3A_313 = tpu.memref_slice %arg4[%dma_wait3A_302, %select_n3A, %dma_wait3A_311, %select_n3A_34, %dma_wait3A_312] : memref<50x8x32x8x128xf32, #tpu.memory_space<hbm>> -> memref<1x1x32x1x128xf32, #tpu.memory_space<hbm>>
        %dma_wait3A_314 = tpu.memref_squeeze %dma_wait3A_313 : memref<1x1x32x1x128xf32, #tpu.memory_space<hbm>> -> memref<32x128xf32, #tpu.memory_space<hbm>>
        %dma_wait3A_315 = arith.constant 0 : i32
        %dma_wait3A_316 = arith.constant 0 : i32
        %dma_wait3A_317 = tpu.memref_slice %arg7[%dma_wait3A_301, %dma_wait3A_315, %dma_wait3A_316] : memref<2x32x128xf32, #tpu.memory_space<vmem>> -> memref<1x32x128xf32, #tpu.memory_space<vmem>>
        %dma_wait3A_318 = tpu.memref_squeeze %dma_wait3A_317 : memref<1x32x128xf32, #tpu.memory_space<vmem>> -> memref<32x128xf32, #tpu.memory_space<vmem>>
        tpu.wait_dma2 semaphore(%arg9 : memref<!tpu.dma_semaphore, #tpu.memory_space<semaphore_mem>>) src(%dma_wait3A_318 : memref<32x128xf32, #tpu.memory_space<vmem>>) dst(%dma_wait3A_314 : memref<32x128xf32, #tpu.memory_space<hbm>>)
      } else {
      }
      %parallel_loop3A_272 = arith.constant 0 : i32
      %parallel_loop3A_273 = arith.constant 256 : i32
      %parallel_loop3A_274 = arith.constant 1 : i32
      scf.for %parallel_loop3A_301 = %parallel_loop3A_272 to %parallel_loop3A_273 step %parallel_loop3A_274  : i32 {
        %parallel_loop3A_302 = arith.constant 16 : i32
        %parallel_loop3A_303 = arith.muli %parallel_loop3A_301, %parallel_loop3A_302 : i32
        %parallel_loop3A_304 = arith.constant 1 : i32
        %parallel_loop3A_305 = arith.index_cast %select_n3A_236 : i32 to index
        %parallel_loop3A_306 = arith.index_cast %parallel_loop3A_304 : i32 to index
        %parallel_loop3A_307 = arith.index_cast %parallel_loop3A_303 : i32 to index
        %parallel_loop3A_308 = tpu.vector_load %arg6[%parallel_loop3A_305, %parallel_loop3A_306, %parallel_loop3A_307] {strides = array<i32>} : memref<2x2x4096xi32, #tpu.memory_space<vmem>>, vector<16xi32>,
        %parallel_loop3A_309 = tpu.vector_load_idx %arg5[%parallel_loop3A_308] : memref<100000xf32, #tpu.memory_space<vmem>>[vector<16xi32>], vector<16xf32>,
        %parallel_loop3A_310 = arith.constant 3 : i32
        %parallel_loop3A_311 = arith.shrsi %parallel_loop3A_301, %parallel_loop3A_310 : i32
        %parallel_loop3A_312 = arith.constant 7 : i32
        %parallel_loop3A_313 = arith.andi %parallel_loop3A_301, %parallel_loop3A_312 : i32
        %parallel_loop3A_314 = arith.constant 16 : i32
        %parallel_loop3A_315 = arith.muli %parallel_loop3A_313, %parallel_loop3A_314 : i32
        %parallel_loop3A_316 = arith.constant 1 : i32
        %parallel_loop3A_317 = arith.index_cast %parallel_loop3A_316 : i32 to index
        %parallel_loop3A_318 = arith.index_cast %parallel_loop3A_311 : i32 to index
        %parallel_loop3A_319 = arith.index_cast %parallel_loop3A_315 : i32 to index
        %parallel_loop3A_320 = tpu.vector_load %arg7[%parallel_loop3A_317, %parallel_loop3A_318, %parallel_loop3A_319] {strides = array<i32>} : memref<2x32x128xf32, #tpu.memory_space<vmem>>, vector<16xf32>,
        tpu.vector_store %arg7[%parallel_loop3A_317, %parallel_loop3A_318, %parallel_loop3A_319], %parallel_loop3A_309 {strides = array<i32>} : memref<2x32x128xf32, #tpu.memory_space<vmem>>, vector<16xf32>,
      } {sc.loop_unroll_factor = 16 : i64, sc.parallel_access}
      %mul3A_275 = arith.constant 2 : i32
      %mul3A_276 = arith.muli %scan3A_220, %mul3A_275 : i32
      %add3A_277 = arith.constant 1 : i32
      %add3A_278 = arith.addi %mul3A_276, %add3A_277 : i32
      %dma_start3A_279 = arith.constant 1 : i32
      %dma_start3A_280 = arith.constant 0 : i32
      %dma_start3A_281 = arith.constant 0 : i32
      %dma_start3A_282 = tpu.memref_slice %arg7[%dma_start3A_279, %dma_start3A_280, %dma_start3A_281] : memref<2x32x128xf32, #tpu.memory_space<vmem>> -> memref<1x32x128xf32, #tpu.memory_space<vmem>>
      %dma_start3A_283 = tpu.memref_squeeze %dma_start3A_282 : memref<1x32x128xf32, #tpu.memory_space<vmem>> -> memref<32x128xf32, #tpu.memory_space<vmem>>
      %dma_start3A_284 = arith.constant 0 : i32
      %dma_start3A_285 = arith.constant 0 : i32
      %dma_start3A_286 = tpu.memref_slice %arg4[%add3A_278, %select_n3A, %dma_start3A_284, %select_n3A_34, %dma_start3A_285] : memref<50x8x32x8x128xf32, #tpu.memory_space<hbm>> -> memref<1x1x32x1x128xf32, #tpu.memory_space<hbm>>
      %dma_start3A_287 = tpu.memref_squeeze %dma_start3A_286 : memref<1x1x32x1x128xf32, #tpu.memory_space<hbm>> -> memref<32x128xf32, #tpu.memory_space<hbm>>
      %dma_start3A_288 = arith.constant 0 : i32
      %dma_start3A_289 = arith.constant 0 : i32
      %dma_start3A_290 = tpu.memref_slice %arg4[%add3A_278, %select_n3A, %dma_start3A_288, %select_n3A_34, %dma_start3A_289] : memref<50x8x32x8x128xf32, #tpu.memory_space<hbm>> -> memref<1x1x32x1x128xf32, #tpu.memory_space<hbm>>
      %dma_start3A_291 = tpu.memref_squeeze %dma_start3A_290 : memref<1x1x32x1x128xf32, #tpu.memory_space<hbm>> -> memref<32x128xf32, #tpu.memory_space<hbm>>
      %dma_start3A_292 = arith.constant 0 : i32
      %dma_start3A_293 = arith.constant 0 : i32
      %dma_start3A_294 = tpu.memref_slice %arg7[%dma_start3A_279, %dma_start3A_292, %dma_start3A_293] : memref<2x32x128xf32, #tpu.memory_space<vmem>> -> memref<1x32x128xf32, #tpu.memory_space<vmem>>
      %dma_start3A_295 = tpu.memref_squeeze %dma_start3A_294 : memref<1x32x128xf32, #tpu.memory_space<vmem>> -> memref<32x128xf32, #tpu.memory_space<vmem>>
      tpu.enqueue_dma source(%dma_start3A_295 : memref<32x128xf32, #tpu.memory_space<vmem>>) target(%dma_start3A_291 : memref<32x128xf32, #tpu.memory_space<hbm>>) target_semaphore(%arg9 : memref<!tpu.dma_semaphore, #tpu.memory_space<semaphore_mem>>)
      %lt3A_296 = arith.constant 24 : i32
      %lt3A_297 = arith.cmpi slt, %scan3A_220, %lt3A_296 : i32
      %convert_element_type3A_298 = arith.extui %lt3A_297 : i1 to i32
      %cond3A_299 = arith.constant 0 : i32
      %cond3A_300 = arith.cmpi ne, %convert_element_type3A_298, %cond3A_299 : i32
      scf.if %cond3A_300 {
        %add3A_301 = arith.constant 1 : i32
        %add3A_302 = arith.addi %scan3A_220, %add3A_301 : i32
        %mul3A_303 = arith.constant 2 : i32
        %mul3A_304 = arith.muli %add3A_302, %mul3A_303 : i32
        %sub3A_305 = arith.constant 1 : i32
        %sub3A_306 = arith.subi %sub3A_305, %select_n3A_236 : i32
        %dma_wait3A_307 = arith.constant 0 : i32
        %dma_wait3A_308 = arith.constant 0 : i32
        %dma_wait3A_309 = tpu.memref_slice %arg6[%sub3A_306, %dma_wait3A_307, %dma_wait3A_308] : memref<2x2x4096xi32, #tpu.memory_space<vmem>> -> memref<1x2x4096xi32, #tpu.memory_space<vmem>>
        %dma_wait3A_310 = tpu.memref_squeeze %dma_wait3A_309 : memref<1x2x4096xi32, #tpu.memory_space<vmem>> -> memref<2x4096xi32, #tpu.memory_space<vmem>>
        %dma_wait3A_311 = arith.constant 0 : i32
        %dma_wait3A_312 = tpu.memref_slice %arg3[%mul3A_304, %dma_wait3A_311] : memref<50x4096xi32, #tpu.memory_space<hbm>> -> memref<2x4096xi32, #tpu.memory_space<hbm>>
        %dma_wait3A_313 = arith.constant 0 : i32
        %dma_wait3A_314 = arith.constant 0 : i32
        %dma_wait3A_315 = tpu.memref_slice %arg6[%sub3A_306, %dma_wait3A_313, %dma_wait3A_314] : memref<2x2x4096xi32, #tpu.memory_space<vmem>> -> memref<1x2x4096xi32, #tpu.memory_space<vmem>>
        %dma_wait3A_316 = tpu.memref_squeeze %dma_wait3A_315 : memref<1x2x4096xi32, #tpu.memory_space<vmem>> -> memref<2x4096xi32, #tpu.memory_space<vmem>>
        %dma_wait3A_317 = arith.constant 0 : i32
        %dma_wait3A_318 = tpu.memref_slice %arg3[%mul3A_304, %dma_wait3A_317] : memref<50x4096xi32, #tpu.memory_space<hbm>> -> memref<2x4096xi32, #tpu.memory_space<hbm>>
        tpu.wait_dma2 semaphore(%arg8 : memref<!tpu.dma_semaphore, #tpu.memory_space<semaphore_mem>>) src(%dma_wait3A_318 : memref<2x4096xi32, #tpu.memory_space<hbm>>) dst(%dma_wait3A_316 : memref<2x4096xi32, #tpu.memory_space<vmem>>)
      } else {
      }
    }
    %scan3A_67 = arith.constant 25 : i32
    %dma_wait3A_68 = arith.constant 0 : i32
    %dma_wait3A_69 = arith.constant 0 : i32
    %dma_wait3A_70 = arith.constant 0 : i32
    %dma_wait3A_71 = arith.constant 0 : i32
    %dma_wait3A_72 = tpu.memref_slice %arg7[%dma_wait3A_68, %dma_wait3A_70, %dma_wait3A_71] : memref<2x32x128xf32, #tpu.memory_space<vmem>> -> memref<1x32x128xf32, #tpu.memory_space<vmem>>
    %dma_wait3A_73 = tpu.memref_squeeze %dma_wait3A_72 : memref<1x32x128xf32, #tpu.memory_space<vmem>> -> memref<32x128xf32, #tpu.memory_space<vmem>>
    %dma_wait3A_74 = arith.constant 0 : i32
    %dma_wait3A_75 = arith.constant 0 : i32
    %dma_wait3A_76 = tpu.memref_slice %arg4[%dma_wait3A_69, %select_n3A, %dma_wait3A_74, %select_n3A_34, %dma_wait3A_75] : memref<50x8x32x8x128xf32, #tpu.memory_space<hbm>> -> memref<1x1x32x1x128xf32, #tpu.memory_space<hbm>>
    %dma_wait3A_77 = tpu.memref_squeeze %dma_wait3A_76 : memref<1x1x32x1x128xf32, #tpu.memory_space<hbm>> -> memref<32x128xf32, #tpu.memory_space<hbm>>
    %dma_wait3A_78 = arith.constant 0 : i32
    %dma_wait3A_79 = arith.constant 0 : i32
    %dma_wait3A_80 = tpu.memref_slice %arg4[%dma_wait3A_69, %select_n3A, %dma_wait3A_78, %select_n3A_34, %dma_wait3A_79] : memref<50x8x32x8x128xf32, #tpu.memory_space<hbm>> -> memref<1x1x32x1x128xf32, #tpu.memory_space<hbm>>
    %dma_wait3A_81 = tpu.memref_squeeze %dma_wait3A_80 : memref<1x1x32x1x128xf32, #tpu.memory_space<hbm>> -> memref<32x128xf32, #tpu.memory_space<hbm>>
    %dma_wait3A_82 = arith.constant 0 : i32
    %dma_wait3A_83 = arith.constant 0 : i32
    %dma_wait3A_84 = tpu.memref_slice %arg7[%dma_wait3A_68, %dma_wait3A_82, %dma_wait3A_83] : memref<2x32x128xf32, #tpu.memory_space<vmem>> -> memref<1x32x128xf32, #tpu.memory_space<vmem>>
    %dma_wait3A_85 = tpu.memref_squeeze %dma_wait3A_84 : memref<1x32x128xf32, #tpu.memory_space<vmem>> -> memref<32x128xf32, #tpu.memory_space<vmem>>
    tpu.wait_dma2 semaphore(%arg9 : memref<!tpu.dma_semaphore, #tpu.memory_space<semaphore_mem>>) src(%dma_wait3A_85 : memref<32x128xf32, #tpu.memory_space<vmem>>) dst(%dma_wait3A_81 : memref<32x128xf32, #tpu.memory_space<hbm>>)
    %dma_wait3A_86 = arith.constant 1 : i32
    %dma_wait3A_87 = arith.constant 0 : i32
    %dma_wait3A_88 = arith.constant 0 : i32
    %dma_wait3A_89 = arith.constant 0 : i32
    %dma_wait3A_90 = tpu.memref_slice %arg7[%dma_wait3A_86, %dma_wait3A_88, %dma_wait3A_89] : memref<2x32x128xf32, #tpu.memory_space<vmem>> -> memref<1x32x128xf32, #tpu.memory_space<vmem>>
    %dma_wait3A_91 = tpu.memref_squeeze %dma_wait3A_90 : memref<1x32x128xf32, #tpu.memory_space<vmem>> -> memref<32x128xf32, #tpu.memory_space<vmem>>
    %dma_wait3A_92 = arith.constant 0 : i32
    %dma_wait3A_93 = arith.constant 0 : i32
    %dma_wait3A_94 = tpu.memref_slice %arg4[%dma_wait3A_87, %select_n3A, %dma_wait3A_92, %select_n3A_34, %dma_wait3A_93] : memref<50x8x32x8x128xf32, #tpu.memory_space<hbm>> -> memref<1x1x32x1x128xf32, #tpu.memory_space<hbm>>
    %dma_wait3A_95 = tpu.memref_squeeze %dma_wait3A_94 : memref<1x1x32x1x128xf32, #tpu.memory_space<hbm>> -> memref<32x128xf32, #tpu.memory_space<hbm>>
    %dma_wait3A_96 = arith.constant 0 : i32
    %dma_wait3A_97 = arith.constant 0 : i32
    %dma_wait3A_98 = tpu.memref_slice %arg4[%dma_wait3A_87, %select_n3A, %dma_wait3A_96, %select_n3A_34, %dma_wait3A_97] : memref<50x8x32x8x128xf32, #tpu.memory_space<hbm>> -> memref<1x1x32x1x128xf32, #tpu.memory_space<hbm>>
    %dma_wait3A_99 = tpu.memref_squeeze %dma_wait3A_98 : memref<1x1x32x1x128xf32, #tpu.memory_space<hbm>> -> memref<32x128xf32, #tpu.memory_space<hbm>>
    %dma_wait3A_100 = arith.constant 0 : i32
    %dma_wait3A_101 = arith.constant 0 : i32
    %dma_wait3A_102 = tpu.memref_slice %arg7[%dma_wait3A_86, %dma_wait3A_100, %dma_wait3A_101] : memref<2x32x128xf32, #tpu.memory_space<vmem>> -> memref<1x32x128xf32, #tpu.memory_space<vmem>>
    %dma_wait3A_103 = tpu.memref_squeeze %dma_wait3A_102 : memref<1x32x128xf32, #tpu.memory_space<vmem>> -> memref<32x128xf32, #tpu.memory_space<vmem>>
    tpu.wait_dma2 semaphore(%arg9 : memref<!tpu.dma_semaphore, #tpu.memory_space<semaphore_mem>>) src(%dma_wait3A_103 : memref<32x128xf32, #tpu.memory_space<vmem>>) dst(%dma_wait3A_99 : memref<32x128xf32, #tpu.memory_space<hbm>>)
    %mul3A_104 = arith.constant 2 : i32
    %mul3A_105 = arith.muli %add3A, %mul3A_104 : i32
    %add3A_106 = arith.constant 1 : i32
    %add3A_107 = arith.addi %mul3A_105, %add3A_106 : i32
    %jit3A_108 = arith.constant 8 : i32
    %div3A_109 = arith.divsi %add3A_107, %jit3A_108 : i32
    %sign3A_110 = arith.constant 0 : i32
    %sign3A_111 = arith.cmpi sgt, %add3A_107, %sign3A_110 : i32
    %sign3A_112 = arith.extui %sign3A_111 : i1 to i32
    %sign3A_113 = arith.constant 0 : i32
    %sign3A_114 = arith.cmpi slt, %add3A_107, %sign3A_113 : i32
    %sign3A_115 = arith.extui %sign3A_114 : i1 to i32
    %sign3A_116 = arith.subi %sign3A_112, %sign3A_115 : i32
    %sign3A_117 = arith.constant 0 : i32
    %sign3A_118 = arith.cmpi sgt, %jit3A_108, %sign3A_117 : i32
    %sign3A_119 = arith.extui %sign3A_118 : i1 to i32
    %sign3A_120 = arith.constant 0 : i32
    %sign3A_121 = arith.cmpi slt, %jit3A_108, %sign3A_120 : i32
    %sign3A_122 = arith.extui %sign3A_121 : i1 to i32
    %sign3A_123 = arith.subi %sign3A_119, %sign3A_122 : i32
    %ne3A_124 = arith.cmpi ne, %sign3A_116, %sign3A_123 : i32
    %rem3A_125 = arith.remsi %add3A_107, %jit3A_108 : i32
    %ne3A_126 = arith.constant 0 : i32
    %ne3A_127 = arith.cmpi ne, %rem3A_125, %ne3A_126 : i32
    %and3A_128 = arith.andi %ne3A_124, %ne3A_127 : i1
    %sub3A_129 = arith.constant 1 : i32
    %sub3A_130 = arith.subi %div3A_109, %sub3A_129 : i32
    %select_n3A_131 = arith.select %and3A_128, %sub3A_130, %div3A_109 : i32
    %jit3A_132 = arith.constant 8 : i32
    %eq3A_133 = arith.constant 0 : i32
    %eq3A_134 = arith.cmpi eq, %jit3A_132, %eq3A_133 : i32
    %jit3A_135 = arith.constant 1 : i32
    %select_n3A_136 = arith.select %eq3A_134, %jit3A_135, %jit3A_132 : i32
    %rem3A_137 = arith.remsi %add3A_107, %select_n3A_136 : i32
    %ne3A_138 = arith.constant 0 : i32
    %ne3A_139 = arith.cmpi ne, %rem3A_137, %ne3A_138 : i32
    %lt3A_140 = arith.constant 0 : i32
    %lt3A_141 = arith.cmpi slt, %rem3A_137, %lt3A_140 : i32
    %lt3A_142 = arith.constant 0 : i32
    %lt3A_143 = arith.cmpi slt, %select_n3A_136, %lt3A_142 : i32
    %ne3A_144 = arith.xori %lt3A_141, %lt3A_143 : i1
    %and3A_145 = arith.andi %ne3A_144, %ne3A_139 : i1
    %add3A_146 = arith.addi %rem3A_137, %select_n3A_136 : i32
    %select_n3A_147 = arith.select %and3A_145, %add3A_146, %rem3A_137 : i32
    "tpu.region"() ({
      %run_scoped3A = tpu.sem_alloc : memref<!tpu.dma_semaphore, #tpu.memory_space<semaphore_mem>>
      %dma_start3A_220 = arith.constant 0 : i32
      %dma_start3A_221 = tpu.memref_slice %arg2[%add3A_107, %dma_start3A_220] : memref<64x100000xf32, #tpu.memory_space<hbm>> -> memref<1x100000xf32, #tpu.memory_space<hbm>>
      %dma_start3A_222 = tpu.memref_squeeze %dma_start3A_221 : memref<1x100000xf32, #tpu.memory_space<hbm>> -> memref<100000xf32, #tpu.memory_space<hbm>>
      %dma_start3A_223 = arith.constant 0 : i32
      %dma_start3A_224 = tpu.memref_slice %arg2[%add3A_107, %dma_start3A_223] : memref<64x100000xf32, #tpu.memory_space<hbm>> -> memref<1x100000xf32, #tpu.memory_space<hbm>>
      %dma_start3A_225 = tpu.memref_squeeze %dma_start3A_224 : memref<1x100000xf32, #tpu.memory_space<hbm>> -> memref<100000xf32, #tpu.memory_space<hbm>>
      tpu.enqueue_dma source(%dma_start3A_225 : memref<100000xf32, #tpu.memory_space<hbm>>) target(%arg5 : memref<100000xf32, #tpu.memory_space<vmem>>) target_semaphore(%run_scoped3A : memref<!tpu.dma_semaphore, #tpu.memory_space<semaphore_mem>>)
      %dma_wait3A_226 = arith.constant 0 : i32
      %dma_wait3A_227 = tpu.memref_slice %arg2[%add3A_107, %dma_wait3A_226] : memref<64x100000xf32, #tpu.memory_space<hbm>> -> memref<1x100000xf32, #tpu.memory_space<hbm>>
      %dma_wait3A_228 = tpu.memref_squeeze %dma_wait3A_227 : memref<1x100000xf32, #tpu.memory_space<hbm>> -> memref<100000xf32, #tpu.memory_space<hbm>>
      %dma_wait3A_229 = arith.constant 0 : i32
      %dma_wait3A_230 = tpu.memref_slice %arg2[%add3A_107, %dma_wait3A_229] : memref<64x100000xf32, #tpu.memory_space<hbm>> -> memref<1x100000xf32, #tpu.memory_space<hbm>>
      %dma_wait3A_231 = tpu.memref_squeeze %dma_wait3A_230 : memref<1x100000xf32, #tpu.memory_space<hbm>> -> memref<100000xf32, #tpu.memory_space<hbm>>
      tpu.wait_dma2 semaphore(%run_scoped3A : memref<!tpu.dma_semaphore, #tpu.memory_space<semaphore_mem>>) src(%dma_wait3A_231 : memref<100000xf32, #tpu.memory_space<hbm>>) dst(%arg5 : memref<100000xf32, #tpu.memory_space<vmem>>)
      tpu.yield
    }) : () -> ()
    %dma_start3A_148 = arith.constant 0 : i32
    %dma_start3A_149 = arith.constant 0 : i32
    %dma_start3A_150 = arith.constant 0 : i32
    %dma_start3A_151 = tpu.memref_slice %arg6[%dma_start3A_148, %dma_start3A_149, %dma_start3A_150] : memref<2x2x4096xi32, #tpu.memory_space<vmem>> -> memref<1x2x4096xi32, #tpu.memory_space<vmem>>
    %dma_start3A_152 = tpu.memref_squeeze %dma_start3A_151 : memref<1x2x4096xi32, #tpu.memory_space<vmem>> -> memref<2x4096xi32, #tpu.memory_space<vmem>>
    %dma_start3A_153 = arith.constant 0 : i32
    %dma_start3A_154 = arith.constant 0 : i32
    %dma_start3A_155 = tpu.memref_slice %arg3[%dma_start3A_153, %dma_start3A_154] : memref<50x4096xi32, #tpu.memory_space<hbm>> -> memref<2x4096xi32, #tpu.memory_space<hbm>>
    %dma_start3A_156 = arith.constant 0 : i32
    %dma_start3A_157 = arith.constant 0 : i32
    %dma_start3A_158 = tpu.memref_slice %arg6[%dma_start3A_148, %dma_start3A_156, %dma_start3A_157] : memref<2x2x4096xi32, #tpu.memory_space<vmem>> -> memref<1x2x4096xi32, #tpu.memory_space<vmem>>
    %dma_start3A_159 = tpu.memref_squeeze %dma_start3A_158 : memref<1x2x4096xi32, #tpu.memory_space<vmem>> -> memref<2x4096xi32, #tpu.memory_space<vmem>>
    %dma_start3A_160 = arith.constant 0 : i32
    %dma_start3A_161 = arith.constant 0 : i32
    %dma_start3A_162 = tpu.memref_slice %arg3[%dma_start3A_160, %dma_start3A_161] : memref<50x4096xi32, #tpu.memory_space<hbm>> -> memref<2x4096xi32, #tpu.memory_space<hbm>>
    tpu.enqueue_dma source(%dma_start3A_162 : memref<2x4096xi32, #tpu.memory_space<hbm>>) target(%dma_start3A_159 : memref<2x4096xi32, #tpu.memory_space<vmem>>) target_semaphore(%arg8 : memref<!tpu.dma_semaphore, #tpu.memory_space<semaphore_mem>>)
    %dma_wait3A_163 = arith.constant 0 : i32
    %dma_wait3A_164 = arith.constant 0 : i32
    %dma_wait3A_165 = arith.constant 0 : i32
    %dma_wait3A_166 = tpu.memref_slice %arg6[%dma_wait3A_163, %dma_wait3A_164, %dma_wait3A_165] : memref<2x2x4096xi32, #tpu.memory_space<vmem>> -> memref<1x2x4096xi32, #tpu.memory_space<vmem>>
    %dma_wait3A_167 = tpu.memref_squeeze %dma_wait3A_166 : memref<1x2x4096xi32, #tpu.memory_space<vmem>> -> memref<2x4096xi32, #tpu.memory_space<vmem>>
    %dma_wait3A_168 = arith.constant 0 : i32
    %dma_wait3A_169 = arith.constant 0 : i32
    %dma_wait3A_170 = tpu.memref_slice %arg3[%dma_wait3A_168, %dma_wait3A_169] : memref<50x4096xi32, #tpu.memory_space<hbm>> -> memref<2x4096xi32, #tpu.memory_space<hbm>>
    %dma_wait3A_171 = arith.constant 0 : i32
    %dma_wait3A_172 = arith.constant 0 : i32
    %dma_wait3A_173 = tpu.memref_slice %arg6[%dma_wait3A_163, %dma_wait3A_171, %dma_wait3A_172] : memref<2x2x4096xi32, #tpu.memory_space<vmem>> -> memref<1x2x4096xi32, #tpu.memory_space<vmem>>
    %dma_wait3A_174 = tpu.memref_squeeze %dma_wait3A_173 : memref<1x2x4096xi32, #tpu.memory_space<vmem>> -> memref<2x4096xi32, #tpu.memory_space<vmem>>
    %dma_wait3A_175 = arith.constant 0 : i32
    %dma_wait3A_176 = arith.constant 0 : i32
    %dma_wait3A_177 = tpu.memref_slice %arg3[%dma_wait3A_175, %dma_wait3A_176] : memref<50x4096xi32, #tpu.memory_space<hbm>> -> memref<2x4096xi32, #tpu.memory_space<hbm>>
    tpu.wait_dma2 semaphore(%arg8 : memref<!tpu.dma_semaphore, #tpu.memory_space<semaphore_mem>>) src(%dma_wait3A_177 : memref<2x4096xi32, #tpu.memory_space<hbm>>) dst(%dma_wait3A_174 : memref<2x4096xi32, #tpu.memory_space<vmem>>)
    %scan3A_178 = arith.constant 0 : i32
    %scan3A_179 = arith.constant 0 : i32
    %scan3A_180 = arith.constant 25 : i32
    %scan3A_181 = arith.addi %scan3A_179, %scan3A_180 : i32
    %scan3A_182 = arith.constant 1 : i32
    scf.for %scan3A_220 = %scan3A_179 to %scan3A_181 step %scan3A_182  : i32 {
      %jit3A_221 = arith.constant 2 : i32
      %eq3A_222 = arith.constant 0 : i32
      %eq3A_223 = arith.cmpi eq, %jit3A_221, %eq3A_222 : i32
      %jit3A_224 = arith.constant 1 : i32
      %select_n3A_225 = arith.select %eq3A_223, %jit3A_224, %jit3A_221 : i32
      %rem3A_226 = arith.remsi %scan3A_220, %select_n3A_225 : i32
      %ne3A_227 = arith.constant 0 : i32
      %ne3A_228 = arith.cmpi ne, %rem3A_226, %ne3A_227 : i32
      %lt3A_229 = arith.constant 0 : i32
      %lt3A_230 = arith.cmpi slt, %rem3A_226, %lt3A_229 : i32
      %lt3A_231 = arith.constant 0 : i32
      %lt3A_232 = arith.cmpi slt, %select_n3A_225, %lt3A_231 : i32
      %ne3A_233 = arith.xori %lt3A_230, %lt3A_232 : i1
      %and3A_234 = arith.andi %ne3A_233, %ne3A_228 : i1
      %add3A_235 = arith.addi %rem3A_226, %select_n3A_225 : i32
      %select_n3A_236 = arith.select %and3A_234, %add3A_235, %rem3A_226 : i32
      %lt3A_237 = arith.constant 24 : i32
      %lt3A_238 = arith.cmpi slt, %scan3A_220, %lt3A_237 : i32
      %convert_element_type3A = arith.extui %lt3A_238 : i1 to i32
      %cond3A = arith.constant 0 : i32
      %cond3A_239 = arith.cmpi ne, %convert_element_type3A, %cond3A : i32
      scf.if %cond3A_239 {
        %add3A_301 = arith.constant 1 : i32
        %add3A_302 = arith.addi %scan3A_220, %add3A_301 : i32
        %mul3A_303 = arith.constant 2 : i32
        %mul3A_304 = arith.muli %add3A_302, %mul3A_303 : i32
        %sub3A_305 = arith.constant 1 : i32
        %sub3A_306 = arith.subi %sub3A_305, %select_n3A_236 : i32
        %dma_start3A_307 = arith.constant 0 : i32
        %dma_start3A_308 = arith.constant 0 : i32
        %dma_start3A_309 = tpu.memref_slice %arg6[%sub3A_306, %dma_start3A_307, %dma_start3A_308] : memref<2x2x4096xi32, #tpu.memory_space<vmem>> -> memref<1x2x4096xi32, #tpu.memory_space<vmem>>
        %dma_start3A_310 = tpu.memref_squeeze %dma_start3A_309 : memref<1x2x4096xi32, #tpu.memory_space<vmem>> -> memref<2x4096xi32, #tpu.memory_space<vmem>>
        %dma_start3A_311 = arith.constant 0 : i32
        %dma_start3A_312 = tpu.memref_slice %arg3[%mul3A_304, %dma_start3A_311] : memref<50x4096xi32, #tpu.memory_space<hbm>> -> memref<2x4096xi32, #tpu.memory_space<hbm>>
        %dma_start3A_313 = arith.constant 0 : i32
        %dma_start3A_314 = arith.constant 0 : i32
        %dma_start3A_315 = tpu.memref_slice %arg6[%sub3A_306, %dma_start3A_313, %dma_start3A_314] : memref<2x2x4096xi32, #tpu.memory_space<vmem>> -> memref<1x2x4096xi32, #tpu.memory_space<vmem>>
        %dma_start3A_316 = tpu.memref_squeeze %dma_start3A_315 : memref<1x2x4096xi32, #tpu.memory_space<vmem>> -> memref<2x4096xi32, #tpu.memory_space<vmem>>
        %dma_start3A_317 = arith.constant 0 : i32
        %dma_start3A_318 = tpu.memref_slice %arg3[%mul3A_304, %dma_start3A_317] : memref<50x4096xi32, #tpu.memory_space<hbm>> -> memref<2x4096xi32, #tpu.memory_space<hbm>>
        tpu.enqueue_dma source(%dma_start3A_318 : memref<2x4096xi32, #tpu.memory_space<hbm>>) target(%dma_start3A_316 : memref<2x4096xi32, #tpu.memory_space<vmem>>) target_semaphore(%arg8 : memref<!tpu.dma_semaphore, #tpu.memory_space<semaphore_mem>>)
      } else {
      }
      %ge3A = arith.constant 1 : i32
      %ge3A_240 = arith.cmpi sge, %scan3A_220, %ge3A : i32
      %convert_element_type3A_241 = arith.extui %ge3A_240 : i1 to i32
      %cond3A_242 = arith.constant 0 : i32
      %cond3A_243 = arith.cmpi ne, %convert_element_type3A_241, %cond3A_242 : i32
      scf.if %cond3A_243 {
        %dma_wait3A_301 = arith.constant 0 : i32
        %dma_wait3A_302 = arith.constant 0 : i32
        %dma_wait3A_303 = arith.constant 0 : i32
        %dma_wait3A_304 = arith.constant 0 : i32
        %dma_wait3A_305 = tpu.memref_slice %arg7[%dma_wait3A_301, %dma_wait3A_303, %dma_wait3A_304] : memref<2x32x128xf32, #tpu.memory_space<vmem>> -> memref<1x32x128xf32, #tpu.memory_space<vmem>>
        %dma_wait3A_306 = tpu.memref_squeeze %dma_wait3A_305 : memref<1x32x128xf32, #tpu.memory_space<vmem>> -> memref<32x128xf32, #tpu.memory_space<vmem>>
        %dma_wait3A_307 = arith.constant 0 : i32
        %dma_wait3A_308 = arith.constant 0 : i32
        %dma_wait3A_309 = tpu.memref_slice %arg4[%dma_wait3A_302, %select_n3A_131, %dma_wait3A_307, %select_n3A_147, %dma_wait3A_308] : memref<50x8x32x8x128xf32, #tpu.memory_space<hbm>> -> memref<1x1x32x1x128xf32, #tpu.memory_space<hbm>>
        %dma_wait3A_310 = tpu.memref_squeeze %dma_wait3A_309 : memref<1x1x32x1x128xf32, #tpu.memory_space<hbm>> -> memref<32x128xf32, #tpu.memory_space<hbm>>
        %dma_wait3A_311 = arith.constant 0 : i32
        %dma_wait3A_312 = arith.constant 0 : i32
        %dma_wait3A_313 = tpu.memref_slice %arg4[%dma_wait3A_302, %select_n3A_131, %dma_wait3A_311, %select_n3A_147, %dma_wait3A_312] : memref<50x8x32x8x128xf32, #tpu.memory_space<hbm>> -> memref<1x1x32x1x128xf32, #tpu.memory_space<hbm>>
        %dma_wait3A_314 = tpu.memref_squeeze %dma_wait3A_313 : memref<1x1x32x1x128xf32, #tpu.memory_space<hbm>> -> memref<32x128xf32, #tpu.memory_space<hbm>>
        %dma_wait3A_315 = arith.constant 0 : i32
        %dma_wait3A_316 = arith.constant 0 : i32
        %dma_wait3A_317 = tpu.memref_slice %arg7[%dma_wait3A_301, %dma_wait3A_315, %dma_wait3A_316] : memref<2x32x128xf32, #tpu.memory_space<vmem>> -> memref<1x32x128xf32, #tpu.memory_space<vmem>>
        %dma_wait3A_318 = tpu.memref_squeeze %dma_wait3A_317 : memref<1x32x128xf32, #tpu.memory_space<vmem>> -> memref<32x128xf32, #tpu.memory_space<vmem>>
        tpu.wait_dma2 semaphore(%arg9 : memref<!tpu.dma_semaphore, #tpu.memory_space<semaphore_mem>>) src(%dma_wait3A_318 : memref<32x128xf32, #tpu.memory_space<vmem>>) dst(%dma_wait3A_314 : memref<32x128xf32, #tpu.memory_space<hbm>>)
      } else {
      }
      %parallel_loop3A = arith.constant 0 : i32
      %parallel_loop3A_244 = arith.constant 256 : i32
      %parallel_loop3A_245 = arith.constant 1 : i32
      scf.for %parallel_loop3A_301 = %parallel_loop3A to %parallel_loop3A_244 step %parallel_loop3A_245  : i32 {
        %parallel_loop3A_302 = arith.constant 16 : i32
        %parallel_loop3A_303 = arith.muli %parallel_loop3A_301, %parallel_loop3A_302 : i32
        %parallel_loop3A_304 = arith.constant 0 : i32
        %parallel_loop3A_305 = arith.index_cast %select_n3A_236 : i32 to index
        %parallel_loop3A_306 = arith.index_cast %parallel_loop3A_304 : i32 to index
        %parallel_loop3A_307 = arith.index_cast %parallel_loop3A_303 : i32 to index
        %parallel_loop3A_308 = tpu.vector_load %arg6[%parallel_loop3A_305, %parallel_loop3A_306, %parallel_loop3A_307] {strides = array<i32>} : memref<2x2x4096xi32, #tpu.memory_space<vmem>>, vector<16xi32>,
        %parallel_loop3A_309 = tpu.vector_load_idx %arg5[%parallel_loop3A_308] : memref<100000xf32, #tpu.memory_space<vmem>>[vector<16xi32>], vector<16xf32>,
        %parallel_loop3A_310 = arith.constant 3 : i32
        %parallel_loop3A_311 = arith.shrsi %parallel_loop3A_301, %parallel_loop3A_310 : i32
        %parallel_loop3A_312 = arith.constant 7 : i32
        %parallel_loop3A_313 = arith.andi %parallel_loop3A_301, %parallel_loop3A_312 : i32
        %parallel_loop3A_314 = arith.constant 16 : i32
        %parallel_loop3A_315 = arith.muli %parallel_loop3A_313, %parallel_loop3A_314 : i32
        %parallel_loop3A_316 = arith.constant 0 : i32
        %parallel_loop3A_317 = arith.index_cast %parallel_loop3A_316 : i32 to index
        %parallel_loop3A_318 = arith.index_cast %parallel_loop3A_311 : i32 to index
        %parallel_loop3A_319 = arith.index_cast %parallel_loop3A_315 : i32 to index
        %parallel_loop3A_320 = tpu.vector_load %arg7[%parallel_loop3A_317, %parallel_loop3A_318, %parallel_loop3A_319] {strides = array<i32>} : memref<2x32x128xf32, #tpu.memory_space<vmem>>, vector<16xf32>,
        tpu.vector_store %arg7[%parallel_loop3A_317, %parallel_loop3A_318, %parallel_loop3A_319], %parallel_loop3A_309 {strides = array<i32>} : memref<2x32x128xf32, #tpu.memory_space<vmem>>, vector<16xf32>,
      } {sc.loop_unroll_factor = 16 : i64, sc.parallel_access}
      %mul3A_246 = arith.constant 2 : i32
      %mul3A_247 = arith.muli %scan3A_220, %mul3A_246 : i32
      %add3A_248 = arith.constant 0 : i32
      %add3A_249 = arith.addi %mul3A_247, %add3A_248 : i32
      %dma_start3A_250 = arith.constant 0 : i32
      %dma_start3A_251 = arith.constant 0 : i32
      %dma_start3A_252 = arith.constant 0 : i32
      %dma_start3A_253 = tpu.memref_slice %arg7[%dma_start3A_250, %dma_start3A_251, %dma_start3A_252] : memref<2x32x128xf32, #tpu.memory_space<vmem>> -> memref<1x32x128xf32, #tpu.memory_space<vmem>>
      %dma_start3A_254 = tpu.memref_squeeze %dma_start3A_253 : memref<1x32x128xf32, #tpu.memory_space<vmem>> -> memref<32x128xf32, #tpu.memory_space<vmem>>
      %dma_start3A_255 = arith.constant 0 : i32
      %dma_start3A_256 = arith.constant 0 : i32
      %dma_start3A_257 = tpu.memref_slice %arg4[%add3A_249, %select_n3A_131, %dma_start3A_255, %select_n3A_147, %dma_start3A_256] : memref<50x8x32x8x128xf32, #tpu.memory_space<hbm>> -> memref<1x1x32x1x128xf32, #tpu.memory_space<hbm>>
      %dma_start3A_258 = tpu.memref_squeeze %dma_start3A_257 : memref<1x1x32x1x128xf32, #tpu.memory_space<hbm>> -> memref<32x128xf32, #tpu.memory_space<hbm>>
      %dma_start3A_259 = arith.constant 0 : i32
      %dma_start3A_260 = arith.constant 0 : i32
      %dma_start3A_261 = tpu.memref_slice %arg4[%add3A_249, %select_n3A_131, %dma_start3A_259, %select_n3A_147, %dma_start3A_260] : memref<50x8x32x8x128xf32, #tpu.memory_space<hbm>> -> memref<1x1x32x1x128xf32, #tpu.memory_space<hbm>>
      %dma_start3A_262 = tpu.memref_squeeze %dma_start3A_261 : memref<1x1x32x1x128xf32, #tpu.memory_space<hbm>> -> memref<32x128xf32, #tpu.memory_space<hbm>>
      %dma_start3A_263 = arith.constant 0 : i32
      %dma_start3A_264 = arith.constant 0 : i32
      %dma_start3A_265 = tpu.memref_slice %arg7[%dma_start3A_250, %dma_start3A_263, %dma_start3A_264] : memref<2x32x128xf32, #tpu.memory_space<vmem>> -> memref<1x32x128xf32, #tpu.memory_space<vmem>>
      %dma_start3A_266 = tpu.memref_squeeze %dma_start3A_265 : memref<1x32x128xf32, #tpu.memory_space<vmem>> -> memref<32x128xf32, #tpu.memory_space<vmem>>
      tpu.enqueue_dma source(%dma_start3A_266 : memref<32x128xf32, #tpu.memory_space<vmem>>) target(%dma_start3A_262 : memref<32x128xf32, #tpu.memory_space<hbm>>) target_semaphore(%arg9 : memref<!tpu.dma_semaphore, #tpu.memory_space<semaphore_mem>>)
      %ge3A_267 = arith.constant 1 : i32
      %ge3A_268 = arith.cmpi sge, %scan3A_220, %ge3A_267 : i32
      %convert_element_type3A_269 = arith.extui %ge3A_268 : i1 to i32
      %cond3A_270 = arith.constant 0 : i32
      %cond3A_271 = arith.cmpi ne, %convert_element_type3A_269, %cond3A_270 : i32
      scf.if %cond3A_271 {
        %dma_wait3A_301 = arith.constant 1 : i32
        %dma_wait3A_302 = arith.constant 0 : i32
        %dma_wait3A_303 = arith.constant 0 : i32
        %dma_wait3A_304 = arith.constant 0 : i32
        %dma_wait3A_305 = tpu.memref_slice %arg7[%dma_wait3A_301, %dma_wait3A_303, %dma_wait3A_304] : memref<2x32x128xf32, #tpu.memory_space<vmem>> -> memref<1x32x128xf32, #tpu.memory_space<vmem>>
        %dma_wait3A_306 = tpu.memref_squeeze %dma_wait3A_305 : memref<1x32x128xf32, #tpu.memory_space<vmem>> -> memref<32x128xf32, #tpu.memory_space<vmem>>
        %dma_wait3A_307 = arith.constant 0 : i32
        %dma_wait3A_308 = arith.constant 0 : i32
        %dma_wait3A_309 = tpu.memref_slice %arg4[%dma_wait3A_302, %select_n3A_131, %dma_wait3A_307, %select_n3A_147, %dma_wait3A_308] : memref<50x8x32x8x128xf32, #tpu.memory_space<hbm>> -> memref<1x1x32x1x128xf32, #tpu.memory_space<hbm>>
        %dma_wait3A_310 = tpu.memref_squeeze %dma_wait3A_309 : memref<1x1x32x1x128xf32, #tpu.memory_space<hbm>> -> memref<32x128xf32, #tpu.memory_space<hbm>>
        %dma_wait3A_311 = arith.constant 0 : i32
        %dma_wait3A_312 = arith.constant 0 : i32
        %dma_wait3A_313 = tpu.memref_slice %arg4[%dma_wait3A_302, %select_n3A_131, %dma_wait3A_311, %select_n3A_147, %dma_wait3A_312] : memref<50x8x32x8x128xf32, #tpu.memory_space<hbm>> -> memref<1x1x32x1x128xf32, #tpu.memory_space<hbm>>
        %dma_wait3A_314 = tpu.memref_squeeze %dma_wait3A_313 : memref<1x1x32x1x128xf32, #tpu.memory_space<hbm>> -> memref<32x128xf32, #tpu.memory_space<hbm>>
        %dma_wait3A_315 = arith.constant 0 : i32
        %dma_wait3A_316 = arith.constant 0 : i32
        %dma_wait3A_317 = tpu.memref_slice %arg7[%dma_wait3A_301, %dma_wait3A_315, %dma_wait3A_316] : memref<2x32x128xf32, #tpu.memory_space<vmem>> -> memref<1x32x128xf32, #tpu.memory_space<vmem>>
        %dma_wait3A_318 = tpu.memref_squeeze %dma_wait3A_317 : memref<1x32x128xf32, #tpu.memory_space<vmem>> -> memref<32x128xf32, #tpu.memory_space<vmem>>
        tpu.wait_dma2 semaphore(%arg9 : memref<!tpu.dma_semaphore, #tpu.memory_space<semaphore_mem>>) src(%dma_wait3A_318 : memref<32x128xf32, #tpu.memory_space<vmem>>) dst(%dma_wait3A_314 : memref<32x128xf32, #tpu.memory_space<hbm>>)
      } else {
      }
      %parallel_loop3A_272 = arith.constant 0 : i32
      %parallel_loop3A_273 = arith.constant 256 : i32
      %parallel_loop3A_274 = arith.constant 1 : i32
      scf.for %parallel_loop3A_301 = %parallel_loop3A_272 to %parallel_loop3A_273 step %parallel_loop3A_274  : i32 {
        %parallel_loop3A_302 = arith.constant 16 : i32
        %parallel_loop3A_303 = arith.muli %parallel_loop3A_301, %parallel_loop3A_302 : i32
        %parallel_loop3A_304 = arith.constant 1 : i32
        %parallel_loop3A_305 = arith.index_cast %select_n3A_236 : i32 to index
        %parallel_loop3A_306 = arith.index_cast %parallel_loop3A_304 : i32 to index
        %parallel_loop3A_307 = arith.index_cast %parallel_loop3A_303 : i32 to index
        %parallel_loop3A_308 = tpu.vector_load %arg6[%parallel_loop3A_305, %parallel_loop3A_306, %parallel_loop3A_307] {strides = array<i32>} : memref<2x2x4096xi32, #tpu.memory_space<vmem>>, vector<16xi32>,
        %parallel_loop3A_309 = tpu.vector_load_idx %arg5[%parallel_loop3A_308] : memref<100000xf32, #tpu.memory_space<vmem>>[vector<16xi32>], vector<16xf32>,
        %parallel_loop3A_310 = arith.constant 3 : i32
        %parallel_loop3A_311 = arith.shrsi %parallel_loop3A_301, %parallel_loop3A_310 : i32
        %parallel_loop3A_312 = arith.constant 7 : i32
        %parallel_loop3A_313 = arith.andi %parallel_loop3A_301, %parallel_loop3A_312 : i32
        %parallel_loop3A_314 = arith.constant 16 : i32
        %parallel_loop3A_315 = arith.muli %parallel_loop3A_313, %parallel_loop3A_314 : i32
        %parallel_loop3A_316 = arith.constant 1 : i32
        %parallel_loop3A_317 = arith.index_cast %parallel_loop3A_316 : i32 to index
        %parallel_loop3A_318 = arith.index_cast %parallel_loop3A_311 : i32 to index
        %parallel_loop3A_319 = arith.index_cast %parallel_loop3A_315 : i32 to index
        %parallel_loop3A_320 = tpu.vector_load %arg7[%parallel_loop3A_317, %parallel_loop3A_318, %parallel_loop3A_319] {strides = array<i32>} : memref<2x32x128xf32, #tpu.memory_space<vmem>>, vector<16xf32>,
        tpu.vector_store %arg7[%parallel_loop3A_317, %parallel_loop3A_318, %parallel_loop3A_319], %parallel_loop3A_309 {strides = array<i32>} : memref<2x32x128xf32, #tpu.memory_space<vmem>>, vector<16xf32>,
      } {sc.loop_unroll_factor = 16 : i64, sc.parallel_access}
      %mul3A_275 = arith.constant 2 : i32
      %mul3A_276 = arith.muli %scan3A_220, %mul3A_275 : i32
      %add3A_277 = arith.constant 1 : i32
      %add3A_278 = arith.addi %mul3A_276, %add3A_277 : i32
      %dma_start3A_279 = arith.constant 1 : i32
      %dma_start3A_280 = arith.constant 0 : i32
      %dma_start3A_281 = arith.constant 0 : i32
      %dma_start3A_282 = tpu.memref_slice %arg7[%dma_start3A_279, %dma_start3A_280, %dma_start3A_281] : memref<2x32x128xf32, #tpu.memory_space<vmem>> -> memref<1x32x128xf32, #tpu.memory_space<vmem>>
      %dma_start3A_283 = tpu.memref_squeeze %dma_start3A_282 : memref<1x32x128xf32, #tpu.memory_space<vmem>> -> memref<32x128xf32, #tpu.memory_space<vmem>>
      %dma_start3A_284 = arith.constant 0 : i32
      %dma_start3A_285 = arith.constant 0 : i32
      %dma_start3A_286 = tpu.memref_slice %arg4[%add3A_278, %select_n3A_131, %dma_start3A_284, %select_n3A_147, %dma_start3A_285] : memref<50x8x32x8x128xf32, #tpu.memory_space<hbm>> -> memref<1x1x32x1x128xf32, #tpu.memory_space<hbm>>
      %dma_start3A_287 = tpu.memref_squeeze %dma_start3A_286 : memref<1x1x32x1x128xf32, #tpu.memory_space<hbm>> -> memref<32x128xf32, #tpu.memory_space<hbm>>
      %dma_start3A_288 = arith.constant 0 : i32
      %dma_start3A_289 = arith.constant 0 : i32
      %dma_start3A_290 = tpu.memref_slice %arg4[%add3A_278, %select_n3A_131, %dma_start3A_288, %select_n3A_147, %dma_start3A_289] : memref<50x8x32x8x128xf32, #tpu.memory_space<hbm>> -> memref<1x1x32x1x128xf32, #tpu.memory_space<hbm>>
      %dma_start3A_291 = tpu.memref_squeeze %dma_start3A_290 : memref<1x1x32x1x128xf32, #tpu.memory_space<hbm>> -> memref<32x128xf32, #tpu.memory_space<hbm>>
      %dma_start3A_292 = arith.constant 0 : i32
      %dma_start3A_293 = arith.constant 0 : i32
      %dma_start3A_294 = tpu.memref_slice %arg7[%dma_start3A_279, %dma_start3A_292, %dma_start3A_293] : memref<2x32x128xf32, #tpu.memory_space<vmem>> -> memref<1x32x128xf32, #tpu.memory_space<vmem>>
      %dma_start3A_295 = tpu.memref_squeeze %dma_start3A_294 : memref<1x32x128xf32, #tpu.memory_space<vmem>> -> memref<32x128xf32, #tpu.memory_space<vmem>>
      tpu.enqueue_dma source(%dma_start3A_295 : memref<32x128xf32, #tpu.memory_space<vmem>>) target(%dma_start3A_291 : memref<32x128xf32, #tpu.memory_space<hbm>>) target_semaphore(%arg9 : memref<!tpu.dma_semaphore, #tpu.memory_space<semaphore_mem>>)
      %lt3A_296 = arith.constant 24 : i32
      %lt3A_297 = arith.cmpi slt, %scan3A_220, %lt3A_296 : i32
      %convert_element_type3A_298 = arith.extui %lt3A_297 : i1 to i32
      %cond3A_299 = arith.constant 0 : i32
      %cond3A_300 = arith.cmpi ne, %convert_element_type3A_298, %cond3A_299 : i32
      scf.if %cond3A_300 {
        %add3A_301 = arith.constant 1 : i32
        %add3A_302 = arith.addi %scan3A_220, %add3A_301 : i32
        %mul3A_303 = arith.constant 2 : i32
        %mul3A_304 = arith.muli %add3A_302, %mul3A_303 : i32
        %sub3A_305 = arith.constant 1 : i32
        %sub3A_306 = arith.subi %sub3A_305, %select_n3A_236 : i32
        %dma_wait3A_307 = arith.constant 0 : i32
        %dma_wait3A_308 = arith.constant 0 : i32
        %dma_wait3A_309 = tpu.memref_slice %arg6[%sub3A_306, %dma_wait3A_307, %dma_wait3A_308] : memref<2x2x4096xi32, #tpu.memory_space<vmem>> -> memref<1x2x4096xi32, #tpu.memory_space<vmem>>
        %dma_wait3A_310 = tpu.memref_squeeze %dma_wait3A_309 : memref<1x2x4096xi32, #tpu.memory_space<vmem>> -> memref<2x4096xi32, #tpu.memory_space<vmem>>
        %dma_wait3A_311 = arith.constant 0 : i32
        %dma_wait3A_312 = tpu.memref_slice %arg3[%mul3A_304, %dma_wait3A_311] : memref<50x4096xi32, #tpu.memory_space<hbm>> -> memref<2x4096xi32, #tpu.memory_space<hbm>>
        %dma_wait3A_313 = arith.constant 0 : i32
        %dma_wait3A_314 = arith.constant 0 : i32
        %dma_wait3A_315 = tpu.memref_slice %arg6[%sub3A_306, %dma_wait3A_313, %dma_wait3A_314] : memref<2x2x4096xi32, #tpu.memory_space<vmem>> -> memref<1x2x4096xi32, #tpu.memory_space<vmem>>
        %dma_wait3A_316 = tpu.memref_squeeze %dma_wait3A_315 : memref<1x2x4096xi32, #tpu.memory_space<vmem>> -> memref<2x4096xi32, #tpu.memory_space<vmem>>
        %dma_wait3A_317 = arith.constant 0 : i32
        %dma_wait3A_318 = tpu.memref_slice %arg3[%mul3A_304, %dma_wait3A_317] : memref<50x4096xi32, #tpu.memory_space<hbm>> -> memref<2x4096xi32, #tpu.memory_space<hbm>>
        tpu.wait_dma2 semaphore(%arg8 : memref<!tpu.dma_semaphore, #tpu.memory_space<semaphore_mem>>) src(%dma_wait3A_318 : memref<2x4096xi32, #tpu.memory_space<hbm>>) dst(%dma_wait3A_316 : memref<2x4096xi32, #tpu.memory_space<vmem>>)
      } else {
      }
    }
    %scan3A_183 = arith.constant 25 : i32
    %dma_wait3A_184 = arith.constant 0 : i32
    %dma_wait3A_185 = arith.constant 0 : i32
    %dma_wait3A_186 = arith.constant 0 : i32
    %dma_wait3A_187 = arith.constant 0 : i32
    %dma_wait3A_188 = tpu.memref_slice %arg7[%dma_wait3A_184, %dma_wait3A_186, %dma_wait3A_187] : memref<2x32x128xf32, #tpu.memory_space<vmem>> -> memref<1x32x128xf32, #tpu.memory_space<vmem>>
    %dma_wait3A_189 = tpu.memref_squeeze %dma_wait3A_188 : memref<1x32x128xf32, #tpu.memory_space<vmem>> -> memref<32x128xf32, #tpu.memory_space<vmem>>
    %dma_wait3A_190 = arith.constant 0 : i32
    %dma_wait3A_191 = arith.constant 0 : i32
    %dma_wait3A_192 = tpu.memref_slice %arg4[%dma_wait3A_185, %select_n3A_131, %dma_wait3A_190, %select_n3A_147, %dma_wait3A_191] : memref<50x8x32x8x128xf32, #tpu.memory_space<hbm>> -> memref<1x1x32x1x128xf32, #tpu.memory_space<hbm>>
    %dma_wait3A_193 = tpu.memref_squeeze %dma_wait3A_192 : memref<1x1x32x1x128xf32, #tpu.memory_space<hbm>> -> memref<32x128xf32, #tpu.memory_space<hbm>>
    %dma_wait3A_194 = arith.constant 0 : i32
    %dma_wait3A_195 = arith.constant 0 : i32
    %dma_wait3A_196 = tpu.memref_slice %arg4[%dma_wait3A_185, %select_n3A_131, %dma_wait3A_194, %select_n3A_147, %dma_wait3A_195] : memref<50x8x32x8x128xf32, #tpu.memory_space<hbm>> -> memref<1x1x32x1x128xf32, #tpu.memory_space<hbm>>
    %dma_wait3A_197 = tpu.memref_squeeze %dma_wait3A_196 : memref<1x1x32x1x128xf32, #tpu.memory_space<hbm>> -> memref<32x128xf32, #tpu.memory_space<hbm>>
    %dma_wait3A_198 = arith.constant 0 : i32
    %dma_wait3A_199 = arith.constant 0 : i32
    %dma_wait3A_200 = tpu.memref_slice %arg7[%dma_wait3A_184, %dma_wait3A_198, %dma_wait3A_199] : memref<2x32x128xf32, #tpu.memory_space<vmem>> -> memref<1x32x128xf32, #tpu.memory_space<vmem>>
    %dma_wait3A_201 = tpu.memref_squeeze %dma_wait3A_200 : memref<1x32x128xf32, #tpu.memory_space<vmem>> -> memref<32x128xf32, #tpu.memory_space<vmem>>
    tpu.wait_dma2 semaphore(%arg9 : memref<!tpu.dma_semaphore, #tpu.memory_space<semaphore_mem>>) src(%dma_wait3A_201 : memref<32x128xf32, #tpu.memory_space<vmem>>) dst(%dma_wait3A_197 : memref<32x128xf32, #tpu.memory_space<hbm>>)
    %dma_wait3A_202 = arith.constant 1 : i32
    %dma_wait3A_203 = arith.constant 0 : i32
    %dma_wait3A_204 = arith.constant 0 : i32
    %dma_wait3A_205 = arith.constant 0 : i32
    %dma_wait3A_206 = tpu.memref_slice %arg7[%dma_wait3A_202, %dma_wait3A_204, %dma_wait3A_205] : memref<2x32x128xf32, #tpu.memory_space<vmem>> -> memref<1x32x128xf32, #tpu.memory_space<vmem>>
    %dma_wait3A_207 = tpu.memref_squeeze %dma_wait3A_206 : memref<1x32x128xf32, #tpu.memory_space<vmem>> -> memref<32x128xf32, #tpu.memory_space<vmem>>
    %dma_wait3A_208 = arith.constant 0 : i32
    %dma_wait3A_209 = arith.constant 0 : i32
    %dma_wait3A_210 = tpu.memref_slice %arg4[%dma_wait3A_203, %select_n3A_131, %dma_wait3A_208, %select_n3A_147, %dma_wait3A_209] : memref<50x8x32x8x128xf32, #tpu.memory_space<hbm>> -> memref<1x1x32x1x128xf32, #tpu.memory_space<hbm>>
    %dma_wait3A_211 = tpu.memref_squeeze %dma_wait3A_210 : memref<1x1x32x1x128xf32, #tpu.memory_space<hbm>> -> memref<32x128xf32, #tpu.memory_space<hbm>>
    %dma_wait3A_212 = arith.constant 0 : i32
    %dma_wait3A_213 = arith.constant 0 : i32
    %dma_wait3A_214 = tpu.memref_slice %arg4[%dma_wait3A_203, %select_n3A_131, %dma_wait3A_212, %select_n3A_147, %dma_wait3A_213] : memref<50x8x32x8x128xf32, #tpu.memory_space<hbm>> -> memref<1x1x32x1x128xf32, #tpu.memory_space<hbm>>
    %dma_wait3A_215 = tpu.memref_squeeze %dma_wait3A_214 : memref<1x1x32x1x128xf32, #tpu.memory_space<hbm>> -> memref<32x128xf32, #tpu.memory_space<hbm>>
    %dma_wait3A_216 = arith.constant 0 : i32
    %dma_wait3A_217 = arith.constant 0 : i32
    %dma_wait3A_218 = tpu.memref_slice %arg7[%dma_wait3A_202, %dma_wait3A_216, %dma_wait3A_217] : memref<2x32x128xf32, #tpu.memory_space<vmem>> -> memref<1x32x128xf32, #tpu.memory_space<vmem>>
    %dma_wait3A_219 = tpu.memref_squeeze %dma_wait3A_218 : memref<1x32x128xf32, #tpu.memory_space<vmem>> -> memref<32x128xf32, #tpu.memory_space<vmem>>
    tpu.wait_dma2 semaphore(%arg9 : memref<!tpu.dma_semaphore, #tpu.memory_space<semaphore_mem>>) src(%dma_wait3A_219 : memref<32x128xf32, #tpu.memory_space<vmem>>) dst(%dma_wait3A_215 : memref<32x128xf32, #tpu.memory_space<hbm>>)
    return
  }
}

</mosaic_0001>

<sc_bundles>
// kernel: kernel.3.cloned.1.call-start
scs
__scs_entry_jumppad:
0x0: {  	(pc) =	sbr.rel $0x88, $3  }
0x1: {  	(tag) =	ssettag $0x0;
	lr =	simm.s32 $0x1  }
0x2: {  	[smem:$0x3F9F] =	sst lr;
	_ =	strace $0xD0000000  }
0x3: {  	_ = 	snop  }
0x4: {  	_ = 	snop  }
0x5: {  	_ = 	snop  }
0x6: {  	_ = 	snop  }
0x7: {  	_ = 	snop  }
__scs_overlays_trampoline_lowered:
0x8: {  	[smem:$0x3FAE] =	sst s0  }
0x9: {  	[smem:$0x3FAF] =	sst s1  }
0xa: {  	[smem:$0x3FB0] =	sst s2  }
0xb: {  	[smem:$0x3FB1] =	sst s3  }
0xc: {  	[smem:$0x3FB2] =	sst s4  }
0xd: {  	[smem:$0x3FB3] =	sst s5  }
0xe: {  	[smem:$0x3FB4] =	sst s6  }
0xf: {  	[smem:$0x3FB5] =	sst s7  }
0x10: {  	[smem:$0x3FB6] =	sst s8  }
0x11: {  	[smem:$0x3FB7] =	sst s9;
	s0 =	simm.s32 @!p0 $0x0  }
0x12: {  	s1 =	sld [smem:$0x3F9D];
	s0 =	simm.s32 @p0 $0x1  }
0x13: {  	[smem:$0x3FB8] =	sst s0;
	s0 =	simm.s32 @!p1 $0x0  }
0x14: {  	s2 =	sld [smem:$0x3F9C];
	s0 =	simm.s32 @p1 $0x1  }
0x15: {  	[smem:$0x3FB9] =	sst s0;
	s0 =	simm.s32 @!p2 $0x0  }
0x16: {  	s3 =	sld [smem:$0x3FDB];
	s0 =	simm.s32 @p2 $0x1  }
0x17: {  	s4 =	simm.s32 $0x1BF5;
	[smem:$0x3FBB] =	sst s0  }
0x18: {  	s0 =	sld [smem:$0x3F9E];
	_ =	swait.ge [sflag:s4], $0x0  }
0x19: {  	s7 =	sld [smem:$0x3F9F]  }
0x1a: {  	s8 =	sadd.s32 $0xFFFFE003, lr  }
0x1b: {  	s9 =	sadd.s32 $0xFFFFFEF7, lr;
	s5 =	simm.s32 $0xFFFFFFFF;
	p2 =	slt.u32 s8, $0xFFFFF086  }
0x1c: {  	p1 =	slt.u32 s9, $0xF7A;
	s5 =	simm.s32 @!p2 $0x0  }
0x1d: {  	s5 =	simm.s32 @p1 $0x1;
	p0 =	seq.s32 s7, s2  }
0x1e: {  	s7 =	smul.u32 @!p0 $0xF7A, s2;
	p2 =	seq.s32 @!p0 s5, $0x0  }
0x1f: {  	s9 =	smul.u32 $0xF7A, s1;
	s8 =	simm.s32 @!p0 $0x1BF5;
	p2 =	por !p2, p0  }
0x20: {  	[sflag:s8] =	ssyncset.s32 @!p0 $0xFFFFF086;
	s6 =	sadd.s32 @!p0 s3, s7;
	s7 =	simm.s32 @!p0 $0x108  }
0x21: {  	s3 =	sadd.s32 s3, s9;
	s6 =	sadd.s32 @!p0 $0x88, s6;
	s7 =	simm.s32 @p2 $0x1082  }
0x22: {  	[simem:s7], [sflag:s8] =	dma.local @!p0 [hbm:s6], $0xF7A  }
0x23: {  	s9 =	sor.u32 $0xD0000000, s2;
	s6 =	simm.s32 $0x108;
	_ =	swait.ge @!p0 [sflag:s8], $0x0  }
0x24: {  	s3 =	sadd.s32 $0x88, s3;
	s6 =	simm.s32 @!p1 $0x1082;
	[sflag:s4] =	ssyncset.s32 $0xFFFFF086  }
0x25: {  	[simem:s6], [sflag:s4] =	dma.local [hbm:s3], $0xF7A  }
0x26: {  	[smem:$0x3F9F] =	sst s1;
	(tag) =	ssettag s2;
	_ =	strace s9  }
0x27: {  	s1 =	sld [smem:$0x3FAF]  }
0x28: {  	s2 =	sld [smem:$0x3FB0]  }
0x29: {  	s4 =	sld [smem:$0x3FB2]  }
0x2a: {  	p0 =	seq.s32 s5, $0x0;
	s5 =	sld [smem:$0x3FB3]  }
0x2b: {  	s6 =	sld [smem:$0x3FB4]  }
0x2c: {  	s7 =	sld [smem:$0x3FB5]  }
0x2d: {  	s3 =	simm.s32 $0x108;
	s8 =	sld [smem:$0x3FB6]  }
0x2e: {  	s3 =	simm.s32 @!p0 $0x1082;
	s9 =	sld [smem:$0x3FB7]  }
0x2f: {  	lr =	sadd.s32 s0, s3;
	s0 =	sld [smem:$0x3FAE]  }
0x30: {  	s3 =	sld [smem:$0x3FB1]  }
0x31: {  	[smem:$0x3FBA] =	sst s10  }
0x32: {  	s10 =	sld [smem:$0x3FB8];
	_ =	sdelay $0x3  }
0x33: {  	p0 =	seq.s32 s10, $0x1;
	s10 =	sld [smem:$0x3FBA];
	_ =	sdelay $0x3  }
0x34: {  	[smem:$0x3FBA] =	sst s10  }
0x35: {  	s10 =	sld [smem:$0x3FB9];
	_ =	sdelay $0x3  }
0x36: {  	p1 =	seq.s32 s10, $0x1;
	s10 =	sld [smem:$0x3FBA];
	_ =	sdelay $0x3  }
0x37: {  	[smem:$0x3FBA] =	sst s10  }
0x38: {  	s10 =	sld [smem:$0x3FBB]  }
0x39: {  	_ = 	snop;
	(pc) =	sbr.ind lr, $3  }
0x3a: {  	_ = 	snop  }
0x3b: {  	_ = 	snop  }
0x3c: {  	p2 =	seq.s32 s10, $0x1;
	s10 =	sld [smem:$0x3FBA]  }
0x3d: {  	_ =	shalt  }
0x3e: {  	_ =	shalt  }
0x3f: {  	_ =	shalt  }
0x40: {  	_ =	shalt  }
0x41: {  	_ =	shalt  }
0x42: {  	_ =	shalt  }
0x43: {  	_ =	shalt  }
0x44: {  	_ =	shalt  }
0x45: {  	_ =	shalt  }
0x46: {  	_ =	shalt  }
0x47: {  	_ =	shalt  }
0x48: {  	_ =	shalt  }
0x49: {  	_ =	shalt  }
0x4a: {  	_ =	shalt  }
0x4b: {  	_ =	shalt  }
0x4c: {  	_ =	shalt  }
0x4d: {  	_ =	shalt  }
0x4e: {  	_ =	shalt  }
0x4f: {  	_ =	shalt  }
0x50: {  	_ =	shalt  }
0x51: {  	_ =	shalt  }
0x52: {  	_ =	shalt  }
0x53: {  	_ =	shalt  }
0x54: {  	_ =	shalt  }
0x55: {  	_ =	shalt  }
0x56: {  	_ =	shalt  }
0x57: {  	_ =	shalt  }
0x58: {  	_ =	shalt  }
0x59: {  	_ =	shalt  }
0x5a: {  	_ =	shalt  }
0x5b: {  	_ =	shalt  }
0x5c: {  	_ =	shalt  }
0x5d: {  	_ =	shalt  }
0x5e: {  	_ =	shalt  }
0x5f: {  	_ =	shalt  }
0x60: {  	_ =	shalt  }
0x61: {  	_ =	shalt  }
0x62: {  	_ =	shalt  }
0x63: {  	_ =	shalt  }
0x64: {  	_ =	shalt  }
0x65: {  	_ =	shalt  }
0x66: {  	_ =	shalt  }
0x67: {  	_ =	shalt  }
0x68: {  	_ =	shalt  }
0x69: {  	_ =	shalt  }
0x6a: {  	_ =	shalt  }
0x6b: {  	_ =	shalt  }
0x6c: {  	_ =	shalt  }
0x6d: {  	_ =	shalt  }
0x6e: {  	_ =	shalt  }
0x6f: {  	_ =	shalt  }
0x70: {  	_ =	shalt  }
0x71: {  	_ =	shalt  }
0x72: {  	_ =	shalt  }
0x73: {  	_ =	shalt  }
0x74: {  	_ =	shalt  }
0x75: {  	_ =	shalt  }
0x76: {  	_ =	shalt  }
0x77: {  	_ =	shalt  }
0x78: {  	_ =	shalt  }
0x79: {  	_ =	shalt  }
0x7a: {  	_ =	shalt  }
0x7b: {  	_ =	shalt  }
0x7c: {  	_ =	shalt  }
0x7d: {  	_ =	shalt  }
0x7e: {  	_ =	shalt  }
0x7f: {  	_ =	shalt  }
0x80: {  	_ =	shalt  }
0x81: {  	_ =	shalt  }
0x82: {  	_ =	shalt  }
0x83: {  	_ =	shalt  }
0x84: {  	_ =	shalt  }
0x85: {  	_ =	shalt  }
0x86: {  	_ =	shalt  }
0x87: {  	_ =	shalt  }
.Lfunc_end0:
.L_simem_size_0:
called_computation_lowered:
.L_overlay_start_0:
0x88: {  	s2 =	sld [smem:$0x3FD9]  }
0x89: {  	s3 =	sld [smem:$0x3FFE];
	_ =	sdelay $0x1  }
0x8a: {  	s1 =	srdreg.scid  }
0x8b: {  	s0 =	sand.u32 $0x1, s1  }
0x8c: {  	s18 =	sshll.u32 s0, $0xA;
	s2 =	sadd.s32 s3, s2  }
0x8d: {  	s2 =	sadd.s32 s2, s18  }
0x8e: {  	[smem:$0x3FC6] =	sst s2  }
0x8f: {  	_ = 	snop  }
0x90: {  	s2 =	sld [smem:$0x3FC9]  }
0x91: {  	s19 =	sld [smem:$0x3FC8]  }
0x92: {  	s4 =	sld [smem:$0x3FD0];
	(tm) =	ssettm $0x1  }
0x93: {  	s5 =	sld [smem:$0x3FFB];
	_ =	sdelay $0x3  }
0x94: {  	_ =	strace s5  }
0x95: {  	s5 =	sld [smem:$0x3FFC];
	_ =	sdelay $0x3  }
0x96: {  	_ =	strace s5  }
0x97: {  	s5 =	sld [smem:$0x3FFD];
	_ =	sdelay $0x3  }
0x98: {  	_ =	strace s5  }
0x99: {  	_ =	strace $0x8FFFFFFF  }
0x9a: {  	s20 =	sld [smem:$0x3FDB];
	_ =	sdelay $0x1  }
0x9b: {  	s6 =	simm.s32 $_scs_section_size  }
0x9c: {  	s7 =	simm.s32 $_size__tile_overlayer_lowered;
	s8 =	simm.s32 $_tile_overlayer_lowered  }
0x9d: {  	s23 =	simm.s32 $0x1BFF;
	s22 =	sshll.u32 s8, $0x1;
	s5 =	sadd.s32 s6, s20  }
0x9e: {  	s9 =	simm.s32 $0x0;
	s21 =	sshll.u32 s7, $0x1;
	s7 =	sadd.s32 s22, s5  }
0x9f: {  	[timem:s9], [sflag:s23] =	dma.local [hbm:s7], s21  }
0xa0: {  	_ =	swait.ge [sflag:s23], s21  }
0xa1: {  	s6 =	ssub.s32 $0x0, s21;
	[sflag:s23] =	ssyncset.done $0x0  }
0xa2: {  	[sflag:s23] =	ssyncadd.s32 s6;
	_ =	sdelay $0x1  }
0xa3: {  	s24 =	simm.s32 $0x1B8B  }
0xa4: {  	_ =	swait.ge [sflag:s24], $0x1  }
0xa5: {  	[sflag:s24] =	ssyncset.done $0x0  }
0xa6: {  	s25 =	simm.s32 $0x1B8E;
	[sflag:s24] =	ssyncadd.s32 $0xFFFFFFFF  }
0xa7: {  	s26 =	simm.s32 $execute0_lowered;
	[smem:$0x3FD2] =	sst s25  }
0xa8: {  	s6 =	sshll.u32 s26, $0x1;
	_ =	strace $0x80000046;
	[dreg:$0x1] =	wrdreg $0xFFFFFFFF  }
0xa9: {  	s28 =	simm.s32 $_size_execute0_lowered;
	s5 =	sadd.s32 s5, s6;
	[dreg:$0x0] =	wrdreg $0x0  }
0xaa: {  	s6 =	sshll.u32 s28, $0x1;
	[dreg:$0x2] =	wrdreg s5  }
0xab: {  	[dreg:$0x3] =	wrdreg s6  }
0xac: {  	[dreg:$0x4] =	wrdreg $0xC0  }
0xad: {  	_ =	task [dreg:s9], $0x5FFFF  }
0xae: {  	[dreg:$0x1] =	wrdreg $0xFFFFFFFF  }
0xaf: {  	[dreg:$0x0] =	wrdreg $0x60  }
0xb0: {  	[dreg:$0x2] =	wrdreg s19  }
0xb1: {  	[dreg:$0x3] =	wrdreg s2  }
0xb2: {  	[dreg:$0x4] =	wrdreg s4  }
0xb3: {  	[dreg:$0x5] =	wrdreg $0x9  }
0xb4: {  	_ =	task.clear_ibuf [dreg:s9], $0x6FFFF;
	_ =	strace $0x90000046  }
0xb5: {  	s29 =	simm.s32 $0x9;
	_ =	strace $0x80000048  }
0xb6: {  	_ =	swait.ge [sflag:s29], $0x1  }
0xb7: {  	[sflag:s29] =	ssyncadd.s32 $0xFFFFFFFF  }
0xb8: {  	_ =	strace $0x90000048  }
0xb9: {  	_ =	sfence  }
0xba: {  	s30 =	sld [smem:$0x0];
	_ =	sdelay $0x2  }
0xbb: {  	s31 =	sshll.u32 s1, $0xD;
	s1 =	sshrl.u32 s1, $0x2  }
0xbc: {  	s3 =	sand.u32 $0x4000, s31;
	s1 =	sadd.s32 s1, s30  }
0xbd: {  	s0 =	sor.u32 s3, s0;
	s1 =	sshll.u32 s1, $0x11  }
0xbe: {  	s0 =	sor.u32 s1, s0  }
0xbf: {  	s0 =	sadd.s32 $0x8F2B, s0  }
0xc0: {  	[sflag:s0] =	ssyncadd.remote.s32 $0x1  }
0xc1: {  	_ =	sfence.sel $0xFFFF  }
0xc2: {  	[dreg:$0x0] =	wrdreg $0xFFFFFFFF;
	(pc) =	sbr.abs _section_cstart, $3  }
0xc3: {  	[dreg:$0x1] =	wrdreg $0xFFFFFFFF  }
0xc4: {  	_ =	task.clear_ibuf [dreg:s9], $0x2FFFF;
	_ =	strace $0x9FFFFFFF  }
0xc5: {  	(tm) =	ssettm $0x7FFFFFFF  }
tec
execute0_lowered:
.L_overlay_start_1:
0x0: {  	(tag) =	ssettag $0x1  }
0x1: {  	s10 =	rddreg [dreg:$0x0]  }
0x2: {  	s1 =	rddreg [dreg:$0x1]  }
0x3: {  	s3 =	rddreg [dreg:$0x2]  }
0x4: {  	s0 =	rddreg [dreg:$0x3];
	s4 =	simm.s32 $0x0  }
0x5: {  	s5 =	srdreg.scid;
	s2 =	stileid.u32;
	s13 =	simm.s32 $0x400  }
0x6: {  	s14 =	simm.s32 $0x3;
	s15 =	simm.s32 $0x100;
	s16 =	simm.s32 $0x18700  }
0x7: {  	s17 =	simm.s32 $0x1;
	s18 =	simm.s32 $0x1C700;
	s19 =	simm.s32 $0x1D700  }
0x8: {  	s20 =	simm.s32 $0x2;
	s21 =	simm.s32 $0x0;
	s5 =	sand.u32 $0x1, s5  }
0x9: {  	s6 =	sshll.u32 s2, $0x9;
	s7 =	sshrl.u32 s2, $0x1;
	[smem:$0x7FF] =	sst s4  }
0xa: {  	s31 =	sshll.u32 s2, $0xE;
	s8 =	sshll.u32 s5, $0x8;
	s9 =	smul.u32 $0xC3800, s7  }
0xb: {  	s6 =	sand.u32 $0x200, s6;
	s28 =	ssub.s32 $0x2, s5;
	_ =	strace $0x80000047  }
.Ltmp0:
0xc: {  	s5 =	sor.u32 s8, s6;
	s29 =	sshrl.u32 s28, $0x1;
	(pc) =	sbr.rel .LBB2_1-.Ltmp0, $4  }
0xd: {  	s8 =	sor.u32 s9, s5;
	s11 =	ssub.s32 s28, s29;
	s6 =	sor.u32 $0x80, s5  }
0xe: {  	s30 =	sshrl.u32 s8, $0x3;
	s12 =	sor.u32 s9, s6;
	s8 =	sand.u32 $0x38000, s31  }
0xf: {  	s9 =	sadd.s32 $0x8000, s3;
	s11 =	smax.u32 s11, $0x1;
	s12 =	sshrl.u32 s12, $0x3  }
0x10: {  	s7 =	sadd.s32 s10, s30;
	s10 =	sadd.s32 s10, s12;
	s12 =	simm.s32 $0x80  }
.LBB2_21:
0x11: {  	s21 =	sadd.s32 $0x1, s21  }
0x12: {  	_ =	swait.ge [sflag:s20], $0x1000;
	p0 =	sne.s32 s21, s11  }
.Ltmp1:
0x13: {  	[sflag:s20] =	ssyncset.done $0x0;
	(pc) =	sbr.rel @!p0 .LBB2_22-.Ltmp1, $4  }
0x14: {  	[sflag:s20] =	ssyncadd.s32 $0xFFFFF000  }
0x15: {  	_ =	swait.ge [sflag:s20], $0x1000  }
0x16: {  	[sflag:s20] =	ssyncset.done $0x0  }
0x17: {  	[sflag:s20] =	ssyncadd.s32 $0xFFFFF000  }
.LBB2_1:
0x18: {  	[tilespmem:s4], [sflag:$0x3] =	stream.strided.gather [hbm4b:s7+s12], $0x18700, s13, s12, $0x38;
	[tilespmem:$0x1E700] =	vst v63  }
0x19: {  	_ =	swait.ge [sflag:s14], $0x18700  }
0x1a: {  	[sflag:s14] =	ssyncset.done $0x0  }
0x1b: {  	[sflag:s14] =	ssyncadd.s32 $0xFFFE7900  }
0x1c: {  	[tilespmem:s16], [sflag:$0x1] =	stream.strided.gather [hbm4b:s1+s15], $0x2000, s13, s15, $0x38;
	[tilespmem:$0x1E700] =	vst v63  }
0x1d: {  	_ =	swait.ge [sflag:s17], $0x2000  }
0x1e: {  	[sflag:s17] =	ssyncset.done $0x0  }
0x1f: {  	p0 =	por $0x0, $0x0;
	s22 =	simm.s32 $0x0;
	[sflag:s17] =	ssyncadd.s32 $0xFFFFE000  }
.LBB2_2:
0x20: {  	p1 =	seq.s32 s22, $0x18  }
0x21: {  	s23 =	sshll.u32 @!p1 s22, $0x1;
	p2 =	seq.s32 @!p1 s22, $0x0  }
0x22: {  	s24 =	sand.u32 $0x1, s22;
	s23 =	sadd.s32 @!p1 $0x2, s23;
	p2 =	por p1, !p2  }
.Ltmp2:
0x23: {  	s24 =	sshll.u32 @!p1 s24, $0xD;
	s25 =	sshll.u32 @!p1 s23, $0x4;
	(pc) =	sbr.rel @!p2 .LBB2_3-.Ltmp2, $4  }
0x24: {  	s26 =	simm.s32 @!p1 $0x400;
	s23 =	sshll.u32 @!p1 s23, $0x9;
	s25 =	sand.u32 @!p1 $0x60, s25  }
0x25: {  	s24 =	sxor.u32 @!p1 $0x2000, s24;
	s23 =	sand.u32 @!p1 $0xF000, s23;
	s25 =	sadd.s32 @!p1 s1, s25  }
0x26: {  	s24 =	sor.u32 @!p1 $0x18700, s24;
	s23 =	sadd.s32 @!p1 s23, s25;
	s25 =	simm.s32 @!p1 $0x100  }
0x27: {  	[tilespmem:s24], [sflag:$0x1] =	stream.strided.gather @!p1 [hbm4b:s23+s25], $0x2000, s26, s25, $0x38;
	[tilespmem:$0x1E700] =	vst v63  }
.Ltmp3:
0x28: {  	(pc) =	sbr.rel .LBB2_5-.Ltmp3, $4  }
0x29: {  	_ = 	snop  }
0x2a: {  	_ =	swait.ge [sflag:s20], $0x1000  }
0x2b: {  	[sflag:s20] =	ssyncset.done $0x0  }
0x2c: {  	p2 =	por $0x0, $0x0;
	[sflag:s20] =	ssyncadd.s32 $0xFFFFF000  }
.LBB2_3:
0x2d: {  	p2 =	por @!p1 $0x1, $0x1  }
.LBB2_5:
0x2e: {  	s23 =	simm.s32 $0x1  }
0x2f: {  	s23 =	simm.s32 @!p0 $0x0  }
0x30: {  	s23 =	sshll.u32 s23, $0xD  }
0x31: {  	s26 =	sor.u32 $0x18800, s23  }
0x32: {  	v0 =	vld [tilespmem:s26+$0x70]  }
0x33: {  	v1 =	vld [tilespmem:s26+$0xFFFFFF10]  }
0x34: {  	v2 =	vld [tilespmem:s26+$0xFFFFFF20]  }
0x35: {  	v3 =	vld [tilespmem:s26+$0xFFFFFF30]  }
0x36: {  	v4 =	vld [tilespmem:s26+$0xFFFFFF40]  }
0x37: {  	v5 =	vld [tilespmem:s26+$0xFFFFFF50]  }
0x38: {  	v6 =	vld [tilespmem:s26+$0xFFFFFF60]  }
0x39: {  	v7 =	vld [tilespmem:s26+$0xFFFFFF70]  }
0x3a: {  	v8 =	vld [tilespmem:s26+$0x0]  }
0x3b: {  	v9 =	vld [tilespmem:s26+$0x10]  }
0x3c: {  	v10 =	vld [tilespmem:s26+$0x20]  }
0x3d: {  	v11 =	vld [tilespmem:s26+$0x30]  }
0x3e: {  	v12 =	vld [tilespmem:s26+$0x40]  }
0x3f: {  	v13 =	vld [tilespmem:s26+$0x50]  }
0x40: {  	v14 =	vld [tilespmem:s26+$0x60]  }
0x41: {  	v15 =	vld [tilespmem:s26+$0xFFFFFF00]  }
0x42: {  	v0 =	vld.idx.msk [tilespmem:v0+s4+$0x0], $0xffff  }
0x43: {  	v1 =	vld.idx.msk [tilespmem:v1+s4+$0x0], $0xffff  }
0x44: {  	v2 =	vld.idx.msk [tilespmem:v2+s4+$0x0], $0xffff  }
0x45: {  	v3 =	vld.idx.msk [tilespmem:v3+s4+$0x0], $0xffff  }
0x46: {  	v4 =	vld.idx.msk [tilespmem:v4+s4+$0x0], $0xffff  }
0x47: {  	s25 =	simm.s32 $0x1C780;
	v5 =	vld.idx.msk [tilespmem:v5+s4+$0x0], $0xffff  }
0x48: {  	v6 =	vld.idx.msk [tilespmem:v6+s4+$0x0], $0xffff;
	[tilespmem:s25+$0x70] =	vst v0  }
0x49: {  	v7 =	vld.idx.msk [tilespmem:v7+s4+$0x0], $0xffff;
	[tilespmem:s25+$0xFFFFFF90] =	vst v1  }
0x4a: {  	v15 =	vld.idx.msk [tilespmem:v15+s4+$0x0], $0xffff;
	[tilespmem:s25+$0xFFFFFFA0] =	vst v2  }
0x4b: {  	v8 =	vld.idx.msk [tilespmem:v8+s4+$0x0], $0xffff;
	[tilespmem:s25+$0xFFFFFFB0] =	vst v3  }
0x4c: {  	[tilespmem:s25+$0xFFFFFFC0] =	vst v4;
	v0 =	vld.idx.msk [tilespmem:v9+s4+$0x0], $0xffff  }
0x4d: {  	[tilespmem:s25+$0xFFFFFFD0] =	vst v5;
	v1 =	vld.idx.msk [tilespmem:v10+s4+$0x0], $0xffff  }
0x4e: {  	[tilespmem:s25+$0xFFFFFFE0] =	vst v6;
	v2 =	vld.idx.msk [tilespmem:v11+s4+$0x0], $0xffff  }
0x4f: {  	[tilespmem:s25+$0xFFFFFFF0] =	vst v7;
	v3 =	vld.idx.msk [tilespmem:v12+s4+$0x0], $0xffff  }
0x50: {  	[tilespmem:s25+$0xFFFFFF80] =	vst v15;
	v4 =	vld.idx.msk [tilespmem:v13+s4+$0x0], $0xffff  }
0x51: {  	s24 =	simm.s32 $0x0;
	s23 =	sor.u32 $0x18880, s23;
	s26 =	sadd.s32 $0x200, s26;
	[tilespmem:s25+$0x0] =	vst v8;
	v5 =	vld.idx.msk [tilespmem:v14+s4+$0x0], $0xffff  }
.LBB2_6:
0x52: {  	v6 =	vld [tilespmem:s26+$0x70];
	s24 =	sadd.s32 $0x10, s24;
	[tilespmem:s25+$0x10] =	vst v0  }
0x53: {  	v0 =	vld [tilespmem:s26+$0xFFFFFF10];
	p3 =	slt.u32 s24, $0xF0;
	[tilespmem:s25+$0x20] =	vst v1  }
0x54: {  	v1 =	vld [tilespmem:s26+$0xFFFFFF20];
	[tilespmem:s25+$0x30] =	vst v2  }
0x55: {  	v2 =	vld [tilespmem:s26+$0xFFFFFF30];
	[tilespmem:s25+$0x40] =	vst v3  }
0x56: {  	v3 =	vld [tilespmem:s26+$0xFFFFFF40];
	[tilespmem:s25+$0x50] =	vst v4  }
0x57: {  	v4 =	vld [tilespmem:s26+$0xFFFFFF50];
	[tilespmem:s25+$0x60] =	vst v5  }
0x58: {  	v5 =	vld [tilespmem:s26+$0xFFFFFF60]  }
0x59: {  	v7 =	vld [tilespmem:s26+$0xFFFFFF70]  }
0x5a: {  	v6 =	vld.idx.msk [tilespmem:v6+s4+$0x0], $0xffff  }
0x5b: {  	v8 =	vld [tilespmem:s26+$0x0]  }
0x5c: {  	v9 =	vld [tilespmem:s26+$0x10]  }
0x5d: {  	v10 =	vld [tilespmem:s26+$0x20]  }
0x5e: {  	v11 =	vld [tilespmem:s26+$0x30]  }
0x5f: {  	s25 =	sadd.s32 $0x100, s25;
	v12 =	vld [tilespmem:s26+$0x40]  }
0x60: {  	v13 =	vld [tilespmem:s26+$0x50];
	[tilespmem:s25+$0x70] =	vst v6  }
0x61: {  	v6 =	vld [tilespmem:s26+$0x60]  }
0x62: {  	v14 =	vld [tilespmem:s26+$0xFFFFFF00]  }
0x63: {  	v0 =	vld.idx.msk [tilespmem:v0+s4+$0x0], $0xffff  }
0x64: {  	v1 =	vld.idx.msk [tilespmem:v1+s4+$0x0], $0xffff  }
0x65: {  	v2 =	vld.idx.msk [tilespmem:v2+s4+$0x0], $0xffff  }
0x66: {  	v3 =	vld.idx.msk [tilespmem:v3+s4+$0x0], $0xffff  }
0x67: {  	v4 =	vld.idx.msk [tilespmem:v4+s4+$0x0], $0xffff  }
0x68: {  	v5 =	vld.idx.msk [tilespmem:v5+s4+$0x0], $0xffff  }
0x69: {  	[tilespmem:s25+$0xFFFFFF90] =	vst v0;
	v7 =	vld.idx.msk [tilespmem:v7+s4+$0x0], $0xffff  }
0x6a: {  	v14 =	vld.idx.msk [tilespmem:v14+s4+$0x0], $0xffff;
	[tilespmem:s25+$0xFFFFFFA0] =	vst v1  }
0x6b: {  	[tilespmem:s25+$0xFFFFFFB0] =	vst v2;
	v8 =	vld.idx.msk [tilespmem:v8+s4+$0x0], $0xffff  }
0x6c: {  	[tilespmem:s25+$0xFFFFFFC0] =	vst v3;
	v0 =	vld.idx.msk [tilespmem:v9+s4+$0x0], $0xffff  }
.Ltmp4:
0x6d: {  	[tilespmem:s25+$0xFFFFFFD0] =	vst v4;
	v1 =	vld.idx.msk [tilespmem:v10+s4+$0x0], $0xffff;
	(pc) =	sbr.rel @p3 .LBB2_6-.Ltmp4, $4  }
0x6e: {  	[tilespmem:s25+$0xFFFFFFE0] =	vst v5;
	v2 =	vld.idx.msk [tilespmem:v11+s4+$0x0], $0xffff  }
0x6f: {  	[tilespmem:s25+$0xFFFFFFF0] =	vst v7;
	v3 =	vld.idx.msk [tilespmem:v12+s4+$0x0], $0xffff  }
0x70: {  	[tilespmem:s25+$0xFFFFFF80] =	vst v14;
	v4 =	vld.idx.msk [tilespmem:v13+s4+$0x0], $0xffff  }
0x71: {  	s26 =	sadd.s32 $0x200, s26;
	[tilespmem:s25+$0x0] =	vst v8;
	v5 =	vld.idx.msk [tilespmem:v6+s4+$0x0], $0xffff  }
0x72: {  	[tilespmem:s25+$0x10] =	vst v0  }
0x73: {  	[tilespmem:s25+$0x20] =	vst v1;
	s24 =	sshll.u32 s22, $0x13  }
0x74: {  	[tilespmem:s25+$0x30] =	vst v2;
	s24 =	sor.u32 s24, s8  }
0x75: {  	[tilespmem:s25+$0x40] =	vst v3;
	s24 =	sor.u32 s5, s24  }
0x76: {  	[tilespmem:s25+$0x50] =	vst v4;
	s24 =	sshrl.u32 s24, $0x3  }
0x77: {  	[tilespmem:s25+$0x60] =	vst v5;
	s31 =	sadd.s32 s3, s24;
	s25 =	simm.s32 @!p2 $0x2  }
0x78: {  	[hbm4b:s31+s12] =	stream.strided.scatter [tilespmem:s18], [sflag:$0x2], $0x1000, s13, s12, $0x38;
	[tilespmem:$0x1E700] =	vst v63  }
0x79: {  	_ =	swait.ge @!p2 [sflag:s25], $0x1000  }
0x7a: {  	[sflag:s25] =	ssyncset.done @!p2 $0x0  }
0x7b: {  	[sflag:s25] =	ssyncadd.s32 @!p2 $0xFFFFF000  }
0x7c: {  	v0 =	vld [tilespmem:s23+$0x70]  }
0x7d: {  	v1 =	vld [tilespmem:s23+$0xFFFFFF10]  }
0x7e: {  	v2 =	vld [tilespmem:s23+$0xFFFFFF20]  }
0x7f: {  	v3 =	vld [tilespmem:s23+$0xFFFFFF30]  }
0x80: {  	v4 =	vld [tilespmem:s23+$0xFFFFFF40]  }
0x81: {  	v5 =	vld [tilespmem:s23+$0xFFFFFF50]  }
0x82: {  	v6 =	vld [tilespmem:s23+$0xFFFFFF60]  }
0x83: {  	v7 =	vld [tilespmem:s23+$0xFFFFFF70]  }
0x84: {  	v8 =	vld [tilespmem:s23+$0x0]  }
0x85: {  	v9 =	vld [tilespmem:s23+$0x10]  }
0x86: {  	v10 =	vld [tilespmem:s23+$0x20]  }
0x87: {  	v11 =	vld [tilespmem:s23+$0x30]  }
0x88: {  	v12 =	vld [tilespmem:s23+$0x40]  }
0x89: {  	v13 =	vld [tilespmem:s23+$0x50]  }
0x8a: {  	v14 =	vld [tilespmem:s23+$0x60]  }
0x8b: {  	v15 =	vld [tilespmem:s23+$0xFFFFFF00]  }
0x8c: {  	v0 =	vld.idx.msk [tilespmem:v0+s4+$0x0], $0xffff  }
0x8d: {  	v1 =	vld.idx.msk [tilespmem:v1+s4+$0x0], $0xffff  }
0x8e: {  	v2 =	vld.idx.msk [tilespmem:v2+s4+$0x0], $0xffff  }
0x8f: {  	v3 =	vld.idx.msk [tilespmem:v3+s4+$0x0], $0xffff  }
0x90: {  	v4 =	vld.idx.msk [tilespmem:v4+s4+$0x0], $0xffff  }
0x91: {  	s25 =	simm.s32 $0x1D7F0;
	v5 =	vld.idx.msk [tilespmem:v5+s4+$0x0], $0xffff  }
0x92: {  	v6 =	vld.idx.msk [tilespmem:v6+s4+$0x0], $0xffff;
	[tilespmem:s25+$0x0] =	vst v0  }
0x93: {  	v7 =	vld.idx.msk [tilespmem:v7+s4+$0x0], $0xffff;
	[tilespmem:s25+$0xFFFFFF20] =	vst v1  }
0x94: {  	v15 =	vld.idx.msk [tilespmem:v15+s4+$0x0], $0xffff;
	[tilespmem:s25+$0xFFFFFF30] =	vst v2  }
0x95: {  	v8 =	vld.idx.msk [tilespmem:v8+s4+$0x0], $0xffff;
	[tilespmem:s25+$0xFFFFFF40] =	vst v3  }
0x96: {  	[tilespmem:s25+$0xFFFFFF50] =	vst v4;
	v0 =	vld.idx.msk [tilespmem:v9+s4+$0x0], $0xffff  }
0x97: {  	[tilespmem:s25+$0xFFFFFF60] =	vst v5;
	v1 =	vld.idx.msk [tilespmem:v10+s4+$0x0], $0xffff  }
0x98: {  	[tilespmem:s25+$0xFFFFFF70] =	vst v6;
	v2 =	vld.idx.msk [tilespmem:v11+s4+$0x0], $0xffff  }
0x99: {  	[tilespmem:s25+$0xFFFFFF80] =	vst v7;
	v3 =	vld.idx.msk [tilespmem:v12+s4+$0x0], $0xffff  }
0x9a: {  	[tilespmem:s25+$0xFFFFFF10] =	vst v15;
	v4 =	vld.idx.msk [tilespmem:v13+s4+$0x0], $0xffff  }
0x9b: {  	s26 =	simm.s32 $0x0;
	s23 =	sadd.s32 $0x200, s23;
	[tilespmem:s25+$0xFFFFFF90] =	vst v8;
	v5 =	vld.idx.msk [tilespmem:v14+s4+$0x0], $0xffff  }
.LBB2_8:
0x9c: {  	v6 =	vld [tilespmem:s23+$0x70];
	s26 =	sadd.s32 $0x10, s26;
	[tilespmem:s25+$0xFFFFFFA0] =	vst v0  }
0x9d: {  	v0 =	vld [tilespmem:s23+$0xFFFFFF10];
	p2 =	slt.u32 s26, $0xF0;
	[tilespmem:s25+$0xFFFFFFB0] =	vst v1  }
0x9e: {  	v1 =	vld [tilespmem:s23+$0xFFFFFF20];
	[tilespmem:s25+$0xFFFFFFC0] =	vst v2  }
0x9f: {  	v2 =	vld [tilespmem:s23+$0xFFFFFF30];
	[tilespmem:s25+$0xFFFFFFD0] =	vst v3  }
0xa0: {  	v3 =	vld [tilespmem:s23+$0xFFFFFF40];
	[tilespmem:s25+$0xFFFFFFE0] =	vst v4  }
0xa1: {  	v4 =	vld [tilespmem:s23+$0xFFFFFF50];
	[tilespmem:s25+$0xFFFFFFF0] =	vst v5  }
0xa2: {  	v5 =	vld [tilespmem:s23+$0xFFFFFF60]  }
0xa3: {  	v7 =	vld [tilespmem:s23+$0xFFFFFF70]  }
0xa4: {  	v6 =	vld.idx.msk [tilespmem:v6+s4+$0x0], $0xffff  }
0xa5: {  	v8 =	vld [tilespmem:s23+$0x0]  }
0xa6: {  	v9 =	vld [tilespmem:s23+$0x10]  }
0xa7: {  	v10 =	vld [tilespmem:s23+$0x20]  }
0xa8: {  	v11 =	vld [tilespmem:s23+$0x30]  }
0xa9: {  	s25 =	sadd.s32 $0x100, s25;
	v12 =	vld [tilespmem:s23+$0x40]  }
0xaa: {  	v13 =	vld [tilespmem:s23+$0x50];
	[tilespmem:s25+$0x0] =	vst v6  }
0xab: {  	v6 =	vld [tilespmem:s23+$0x60]  }
0xac: {  	v14 =	vld [tilespmem:s23+$0xFFFFFF00]  }
0xad: {  	v0 =	vld.idx.msk [tilespmem:v0+s4+$0x0], $0xffff  }
0xae: {  	v1 =	vld.idx.msk [tilespmem:v1+s4+$0x0], $0xffff  }
0xaf: {  	v2 =	vld.idx.msk [tilespmem:v2+s4+$0x0], $0xffff  }
0xb0: {  	v3 =	vld.idx.msk [tilespmem:v3+s4+$0x0], $0xffff  }
0xb1: {  	v4 =	vld.idx.msk [tilespmem:v4+s4+$0x0], $0xffff  }
0xb2: {  	v5 =	vld.idx.msk [tilespmem:v5+s4+$0x0], $0xffff  }
0xb3: {  	[tilespmem:s25+$0xFFFFFF20] =	vst v0;
	v7 =	vld.idx.msk [tilespmem:v7+s4+$0x0], $0xffff  }
0xb4: {  	v14 =	vld.idx.msk [tilespmem:v14+s4+$0x0], $0xffff;
	[tilespmem:s25+$0xFFFFFF30] =	vst v1  }
0xb5: {  	[tilespmem:s25+$0xFFFFFF40] =	vst v2;
	v8 =	vld.idx.msk [tilespmem:v8+s4+$0x0], $0xffff  }
0xb6: {  	[tilespmem:s25+$0xFFFFFF50] =	vst v3;
	v0 =	vld.idx.msk [tilespmem:v9+s4+$0x0], $0xffff  }
.Ltmp5:
0xb7: {  	[tilespmem:s25+$0xFFFFFF60] =	vst v4;
	v1 =	vld.idx.msk [tilespmem:v10+s4+$0x0], $0xffff;
	(pc) =	sbr.rel @p2 .LBB2_8-.Ltmp5, $4  }
0xb8: {  	[tilespmem:s25+$0xFFFFFF70] =	vst v5;
	v2 =	vld.idx.msk [tilespmem:v11+s4+$0x0], $0xffff  }
0xb9: {  	[tilespmem:s25+$0xFFFFFF80] =	vst v7;
	v3 =	vld.idx.msk [tilespmem:v12+s4+$0x0], $0xffff  }
0xba: {  	[tilespmem:s25+$0xFFFFFF10] =	vst v14;
	v4 =	vld.idx.msk [tilespmem:v13+s4+$0x0], $0xffff  }
0xbb: {  	s23 =	sadd.s32 $0x200, s23;
	[tilespmem:s25+$0xFFFFFF90] =	vst v8;
	v5 =	vld.idx.msk [tilespmem:v6+s4+$0x0], $0xffff  }
0xbc: {  	[tilespmem:s25+$0xFFFFFFA0] =	vst v0  }
0xbd: {  	[tilespmem:s25+$0xFFFFFFB0] =	vst v1  }
.Ltmp6:
0xbe: {  	[tilespmem:s25+$0xFFFFFFC0] =	vst v2;
	(pc) =	sbr.rel @p1 .LBB2_11-.Ltmp6, $4  }
0xbf: {  	[tilespmem:s25+$0xFFFFFFD0] =	vst v3  }
0xc0: {  	[tilespmem:s25+$0xFFFFFFE0] =	vst v4  }
0xc1: {  	s23 =	sadd.s32 s24, s9;
	[tilespmem:s25+$0xFFFFFFF0] =	vst v5  }
0xc2: {  	[hbm4b:s23+s12] =	stream.strided.scatter [tilespmem:s19], [sflag:$0x2], $0x1000, s13, s12, $0x38;
	[tilespmem:$0x1E700] =	vst v63  }
.Ltmp7:
0xc3: {  	(pc) =	sbr.rel .LBB2_2-.Ltmp7, $4  }
0xc4: {  	_ = 	snop  }
0xc5: {  	_ =	swait.ge [sflag:s17], $0x2000  }
0xc6: {  	[sflag:s17] =	ssyncset.done $0x0  }
0xc7: {  	s22 =	sadd.s32 $0x1, s22;
	p0 =	por !p0, !p0;
	[sflag:s17] =	ssyncadd.s32 $0xFFFFE000  }
.LBB2_11:
0xc8: {  	_ =	swait.ge [sflag:s20], $0x1000  }
0xc9: {  	[sflag:s20] =	ssyncset.done $0x0  }
0xca: {  	[sflag:s20] =	ssyncadd.s32 $0xFFFFF000  }
0xcb: {  	_ =	swait.ge [sflag:s20], $0x1000  }
0xcc: {  	[sflag:s20] =	ssyncset.done $0x0  }
0xcd: {  	s22 =	simm.s32 $0x0;
	[sflag:s20] =	ssyncadd.s32 $0xFFFFF000  }
0xce: {  	[tilespmem:s22], [sflag:$0x3] =	stream.strided.gather [hbm4b:s10+s12], $0x18700, s13, s12, $0x38;
	[tilespmem:$0x1E700] =	vst v63  }
0xcf: {  	_ =	swait.ge [sflag:s14], $0x18700  }
0xd0: {  	[sflag:s14] =	ssyncset.done $0x0  }
0xd1: {  	[sflag:s14] =	ssyncadd.s32 $0xFFFE7900  }
0xd2: {  	[tilespmem:s16], [sflag:$0x1] =	stream.strided.gather [hbm4b:s1+s15], $0x2000, s13, s15, $0x38;
	[tilespmem:$0x1E700] =	vst v63  }
0xd3: {  	_ =	swait.ge [sflag:s17], $0x2000  }
0xd4: {  	[sflag:s17] =	ssyncset.done $0x0  }
0xd5: {  	p0 =	por $0x0, $0x0;
	[sflag:s17] =	ssyncadd.s32 $0xFFFFE000  }
.LBB2_12:
0xd6: {  	p1 =	seq.s32 s22, $0x18  }
0xd7: {  	s23 =	sshll.u32 @!p1 s22, $0x1;
	p2 =	seq.s32 @!p1 s22, $0x0  }
0xd8: {  	s24 =	sand.u32 $0x1, s22;
	s23 =	sadd.s32 @!p1 $0x2, s23;
	p2 =	por p1, !p2  }
.Ltmp8:
0xd9: {  	s24 =	sshll.u32 @!p1 s24, $0xD;
	s25 =	sshll.u32 @!p1 s23, $0x4;
	(pc) =	sbr.rel @!p2 .LBB2_13-.Ltmp8, $4  }
0xda: {  	s26 =	simm.s32 @!p1 $0x400;
	s23 =	sshll.u32 @!p1 s23, $0x9;
	s25 =	sand.u32 @!p1 $0x60, s25  }
0xdb: {  	s24 =	sxor.u32 @!p1 $0x2000, s24;
	s23 =	sand.u32 @!p1 $0xF000, s23;
	s25 =	sadd.s32 @!p1 s1, s25  }
0xdc: {  	s24 =	sor.u32 @!p1 $0x18700, s24;
	s23 =	sadd.s32 @!p1 s23, s25;
	s25 =	simm.s32 @!p1 $0x100  }
0xdd: {  	[tilespmem:s24], [sflag:$0x1] =	stream.strided.gather @!p1 [hbm4b:s23+s25], $0x2000, s26, s25, $0x38;
	[tilespmem:$0x1E700] =	vst v63  }
.Ltmp9:
0xde: {  	(pc) =	sbr.rel .LBB2_15-.Ltmp9, $4  }
0xdf: {  	_ = 	snop  }
0xe0: {  	_ =	swait.ge [sflag:s20], $0x1000  }
0xe1: {  	[sflag:s20] =	ssyncset.done $0x0  }
0xe2: {  	p2 =	por $0x0, $0x0;
	[sflag:s20] =	ssyncadd.s32 $0xFFFFF000  }
.LBB2_13:
0xe3: {  	p2 =	por @!p1 $0x1, $0x1  }
.LBB2_15:
0xe4: {  	s23 =	simm.s32 $0x1  }
0xe5: {  	s23 =	simm.s32 @!p0 $0x0  }
0xe6: {  	s23 =	sshll.u32 s23, $0xD  }
0xe7: {  	s26 =	sor.u32 $0x18800, s23  }
0xe8: {  	v0 =	vld [tilespmem:s26+$0x70]  }
0xe9: {  	v1 =	vld [tilespmem:s26+$0xFFFFFF10]  }
0xea: {  	v2 =	vld [tilespmem:s26+$0xFFFFFF20]  }
0xeb: {  	v3 =	vld [tilespmem:s26+$0xFFFFFF30]  }
0xec: {  	v4 =	vld [tilespmem:s26+$0xFFFFFF40]  }
0xed: {  	v5 =	vld [tilespmem:s26+$0xFFFFFF50]  }
0xee: {  	v6 =	vld [tilespmem:s26+$0xFFFFFF60]  }
0xef: {  	v7 =	vld [tilespmem:s26+$0xFFFFFF70]  }
0xf0: {  	v8 =	vld [tilespmem:s26+$0x0]  }
0xf1: {  	v9 =	vld [tilespmem:s26+$0x10]  }
0xf2: {  	v10 =	vld [tilespmem:s26+$0x20]  }
0xf3: {  	v11 =	vld [tilespmem:s26+$0x30]  }
0xf4: {  	v12 =	vld [tilespmem:s26+$0x40]  }
0xf5: {  	v13 =	vld [tilespmem:s26+$0x50]  }
0xf6: {  	v14 =	vld [tilespmem:s26+$0x60]  }
0xf7: {  	v15 =	vld [tilespmem:s26+$0xFFFFFF00]  }
0xf8: {  	v0 =	vld.idx.msk [tilespmem:v0+s4+$0x0], $0xffff  }
0xf9: {  	v1 =	vld.idx.msk [tilespmem:v1+s4+$0x0], $0xffff  }
0xfa: {  	v2 =	vld.idx.msk [tilespmem:v2+s4+$0x0], $0xffff  }
0xfb: {  	v3 =	vld.idx.msk [tilespmem:v3+s4+$0x0], $0xffff  }
0xfc: {  	v4 =	vld.idx.msk [tilespmem:v4+s4+$0x0], $0xffff  }
0xfd: {  	s25 =	simm.s32 $0x1C780;
	v5 =	vld.idx.msk [tilespmem:v5+s4+$0x0], $0xffff  }
0xfe: {  	v6 =	vld.idx.msk [tilespmem:v6+s4+$0x0], $0xffff;
	[tilespmem:s25+$0x70] =	vst v0  }
0xff: {  	v7 =	vld.idx.msk [tilespmem:v7+s4+$0x0], $0xffff;
	[tilespmem:s25+$0xFFFFFF90] =	vst v1  }
0x100: {  	v15 =	vld.idx.msk [tilespmem:v15+s4+$0x0], $0xffff;
	[tilespmem:s25+$0xFFFFFFA0] =	vst v2  }
0x101: {  	v8 =	vld.idx.msk [tilespmem:v8+s4+$0x0], $0xffff;
	[tilespmem:s25+$0xFFFFFFB0] =	vst v3  }
0x102: {  	[tilespmem:s25+$0xFFFFFFC0] =	vst v4;
	v0 =	vld.idx.msk [tilespmem:v9+s4+$0x0], $0xffff  }
0x103: {  	[tilespmem:s25+$0xFFFFFFD0] =	vst v5;
	v1 =	vld.idx.msk [tilespmem:v10+s4+$0x0], $0xffff  }
0x104: {  	[tilespmem:s25+$0xFFFFFFE0] =	vst v6;
	v2 =	vld.idx.msk [tilespmem:v11+s4+$0x0], $0xffff  }
0x105: {  	[tilespmem:s25+$0xFFFFFFF0] =	vst v7;
	v3 =	vld.idx.msk [tilespmem:v12+s4+$0x0], $0xffff  }
0x106: {  	[tilespmem:s25+$0xFFFFFF80] =	vst v15;
	v4 =	vld.idx.msk [tilespmem:v13+s4+$0x0], $0xffff  }
0x107: {  	s24 =	simm.s32 $0x0;
	s23 =	sor.u32 $0x18880, s23;
	s26 =	sadd.s32 $0x200, s26;
	[tilespmem:s25+$0x0] =	vst v8;
	v5 =	vld.idx.msk [tilespmem:v14+s4+$0x0], $0xffff  }
.LBB2_16:
0x108: {  	v6 =	vld [tilespmem:s26+$0x70];
	s24 =	sadd.s32 $0x10, s24;
	[tilespmem:s25+$0x10] =	vst v0  }
0x109: {  	v0 =	vld [tilespmem:s26+$0xFFFFFF10];
	p3 =	slt.u32 s24, $0xF0;
	[tilespmem:s25+$0x20] =	vst v1  }
0x10a: {  	v1 =	vld [tilespmem:s26+$0xFFFFFF20];
	[tilespmem:s25+$0x30] =	vst v2  }
0x10b: {  	v2 =	vld [tilespmem:s26+$0xFFFFFF30];
	[tilespmem:s25+$0x40] =	vst v3  }
0x10c: {  	v3 =	vld [tilespmem:s26+$0xFFFFFF40];
	[tilespmem:s25+$0x50] =	vst v4  }
0x10d: {  	v4 =	vld [tilespmem:s26+$0xFFFFFF50];
	[tilespmem:s25+$0x60] =	vst v5  }
0x10e: {  	v5 =	vld [tilespmem:s26+$0xFFFFFF60]  }
0x10f: {  	v7 =	vld [tilespmem:s26+$0xFFFFFF70]  }
0x110: {  	v6 =	vld.idx.msk [tilespmem:v6+s4+$0x0], $0xffff  }
0x111: {  	v8 =	vld [tilespmem:s26+$0x0]  }
0x112: {  	v9 =	vld [tilespmem:s26+$0x10]  }
0x113: {  	v10 =	vld [tilespmem:s26+$0x20]  }
0x114: {  	v11 =	vld [tilespmem:s26+$0x30]  }
0x115: {  	s25 =	sadd.s32 $0x100, s25;
	v12 =	vld [tilespmem:s26+$0x40]  }
0x116: {  	v13 =	vld [tilespmem:s26+$0x50];
	[tilespmem:s25+$0x70] =	vst v6  }
0x117: {  	v6 =	vld [tilespmem:s26+$0x60]  }
0x118: {  	v14 =	vld [tilespmem:s26+$0xFFFFFF00]  }
0x119: {  	v0 =	vld.idx.msk [tilespmem:v0+s4+$0x0], $0xffff  }
0x11a: {  	v1 =	vld.idx.msk [tilespmem:v1+s4+$0x0], $0xffff  }
0x11b: {  	v2 =	vld.idx.msk [tilespmem:v2+s4+$0x0], $0xffff  }
0x11c: {  	v3 =	vld.idx.msk [tilespmem:v3+s4+$0x0], $0xffff  }
0x11d: {  	v4 =	vld.idx.msk [tilespmem:v4+s4+$0x0], $0xffff  }
0x11e: {  	v5 =	vld.idx.msk [tilespmem:v5+s4+$0x0], $0xffff  }
0x11f: {  	[tilespmem:s25+$0xFFFFFF90] =	vst v0;
	v7 =	vld.idx.msk [tilespmem:v7+s4+$0x0], $0xffff  }
0x120: {  	v14 =	vld.idx.msk [tilespmem:v14+s4+$0x0], $0xffff;
	[tilespmem:s25+$0xFFFFFFA0] =	vst v1  }
0x121: {  	[tilespmem:s25+$0xFFFFFFB0] =	vst v2;
	v8 =	vld.idx.msk [tilespmem:v8+s4+$0x0], $0xffff  }
0x122: {  	[tilespmem:s25+$0xFFFFFFC0] =	vst v3;
	v0 =	vld.idx.msk [tilespmem:v9+s4+$0x0], $0xffff  }
.Ltmp10:
0x123: {  	[tilespmem:s25+$0xFFFFFFD0] =	vst v4;
	v1 =	vld.idx.msk [tilespmem:v10+s4+$0x0], $0xffff;
	(pc) =	sbr.rel @p3 .LBB2_16-.Ltmp10, $4  }
0x124: {  	[tilespmem:s25+$0xFFFFFFE0] =	vst v5;
	v2 =	vld.idx.msk [tilespmem:v11+s4+$0x0], $0xffff  }
0x125: {  	[tilespmem:s25+$0xFFFFFFF0] =	vst v7;
	v3 =	vld.idx.msk [tilespmem:v12+s4+$0x0], $0xffff  }
0x126: {  	[tilespmem:s25+$0xFFFFFF80] =	vst v14;
	v4 =	vld.idx.msk [tilespmem:v13+s4+$0x0], $0xffff  }
0x127: {  	s26 =	sadd.s32 $0x200, s26;
	[tilespmem:s25+$0x0] =	vst v8;
	v5 =	vld.idx.msk [tilespmem:v6+s4+$0x0], $0xffff  }
0x128: {  	[tilespmem:s25+$0x10] =	vst v0  }
0x129: {  	[tilespmem:s25+$0x20] =	vst v1;
	s24 =	sshll.u32 s22, $0x13  }
0x12a: {  	[tilespmem:s25+$0x30] =	vst v2;
	s24 =	sor.u32 s24, s8  }
0x12b: {  	[tilespmem:s25+$0x40] =	vst v3;
	s24 =	sor.u32 s6, s24  }
0x12c: {  	[tilespmem:s25+$0x50] =	vst v4;
	s24 =	sshrl.u32 s24, $0x3  }
0x12d: {  	[tilespmem:s25+$0x60] =	vst v5;
	s31 =	sadd.s32 s3, s24;
	s25 =	simm.s32 @!p2 $0x2  }
0x12e: {  	[hbm4b:s31+s12] =	stream.strided.scatter [tilespmem:s18], [sflag:$0x2], $0x1000, s13, s12, $0x38;
	[tilespmem:$0x1E700] =	vst v63  }
0x12f: {  	_ =	swait.ge @!p2 [sflag:s25], $0x1000  }
0x130: {  	[sflag:s25] =	ssyncset.done @!p2 $0x0  }
0x131: {  	[sflag:s25] =	ssyncadd.s32 @!p2 $0xFFFFF000  }
0x132: {  	v0 =	vld [tilespmem:s23+$0x70]  }
0x133: {  	v1 =	vld [tilespmem:s23+$0xFFFFFF10]  }
0x134: {  	v2 =	vld [tilespmem:s23+$0xFFFFFF20]  }
0x135: {  	v3 =	vld [tilespmem:s23+$0xFFFFFF30]  }
0x136: {  	v4 =	vld [tilespmem:s23+$0xFFFFFF40]  }
0x137: {  	v5 =	vld [tilespmem:s23+$0xFFFFFF50]  }
0x138: {  	v6 =	vld [tilespmem:s23+$0xFFFFFF60]  }
0x139: {  	v7 =	vld [tilespmem:s23+$0xFFFFFF70]  }
0x13a: {  	v8 =	vld [tilespmem:s23+$0x0]  }
0x13b: {  	v9 =	vld [tilespmem:s23+$0x10]  }
0x13c: {  	v10 =	vld [tilespmem:s23+$0x20]  }
0x13d: {  	v11 =	vld [tilespmem:s23+$0x30]  }
0x13e: {  	v12 =	vld [tilespmem:s23+$0x40]  }
0x13f: {  	v13 =	vld [tilespmem:s23+$0x50]  }
0x140: {  	v14 =	vld [tilespmem:s23+$0x60]  }
0x141: {  	v15 =	vld [tilespmem:s23+$0xFFFFFF00]  }
0x142: {  	v0 =	vld.idx.msk [tilespmem:v0+s4+$0x0], $0xffff  }
0x143: {  	v1 =	vld.idx.msk [tilespmem:v1+s4+$0x0], $0xffff  }
0x144: {  	v2 =	vld.idx.msk [tilespmem:v2+s4+$0x0], $0xffff  }
0x145: {  	v3 =	vld.idx.msk [tilespmem:v3+s4+$0x0], $0xffff  }
0x146: {  	v4 =	vld.idx.msk [tilespmem:v4+s4+$0x0], $0xffff  }
0x147: {  	s25 =	simm.s32 $0x1D7F0;
	v5 =	vld.idx.msk [tilespmem:v5+s4+$0x0], $0xffff  }
0x148: {  	v6 =	vld.idx.msk [tilespmem:v6+s4+$0x0], $0xffff;
	[tilespmem:s25+$0x0] =	vst v0  }
0x149: {  	v7 =	vld.idx.msk [tilespmem:v7+s4+$0x0], $0xffff;
	[tilespmem:s25+$0xFFFFFF20] =	vst v1  }
0x14a: {  	v15 =	vld.idx.msk [tilespmem:v15+s4+$0x0], $0xffff;
	[tilespmem:s25+$0xFFFFFF30] =	vst v2  }
0x14b: {  	v8 =	vld.idx.msk [tilespmem:v8+s4+$0x0], $0xffff;
	[tilespmem:s25+$0xFFFFFF40] =	vst v3  }
0x14c: {  	[tilespmem:s25+$0xFFFFFF50] =	vst v4;
	v0 =	vld.idx.msk [tilespmem:v9+s4+$0x0], $0xffff  }
0x14d: {  	[tilespmem:s25+$0xFFFFFF60] =	vst v5;
	v1 =	vld.idx.msk [tilespmem:v10+s4+$0x0], $0xffff  }
0x14e: {  	[tilespmem:s25+$0xFFFFFF70] =	vst v6;
	v2 =	vld.idx.msk [tilespmem:v11+s4+$0x0], $0xffff  }
0x14f: {  	[tilespmem:s25+$0xFFFFFF80] =	vst v7;
	v3 =	vld.idx.msk [tilespmem:v12+s4+$0x0], $0xffff  }
0x150: {  	[tilespmem:s25+$0xFFFFFF10] =	vst v15;
	v4 =	vld.idx.msk [tilespmem:v13+s4+$0x0], $0xffff  }
0x151: {  	s26 =	simm.s32 $0x0;
	s23 =	sadd.s32 $0x200, s23;
	[tilespmem:s25+$0xFFFFFF90] =	vst v8;
	v5 =	vld.idx.msk [tilespmem:v14+s4+$0x0], $0xffff  }
.LBB2_18:
0x152: {  	v6 =	vld [tilespmem:s23+$0x70];
	s26 =	sadd.s32 $0x10, s26;
	[tilespmem:s25+$0xFFFFFFA0] =	vst v0  }
0x153: {  	v0 =	vld [tilespmem:s23+$0xFFFFFF10];
	p2 =	slt.u32 s26, $0xF0;
	[tilespmem:s25+$0xFFFFFFB0] =	vst v1  }
0x154: {  	v1 =	vld [tilespmem:s23+$0xFFFFFF20];
	[tilespmem:s25+$0xFFFFFFC0] =	vst v2  }
0x155: {  	v2 =	vld [tilespmem:s23+$0xFFFFFF30];
	[tilespmem:s25+$0xFFFFFFD0] =	vst v3  }
0x156: {  	v3 =	vld [tilespmem:s23+$0xFFFFFF40];
	[tilespmem:s25+$0xFFFFFFE0] =	vst v4  }
0x157: {  	v4 =	vld [tilespmem:s23+$0xFFFFFF50];
	[tilespmem:s25+$0xFFFFFFF0] =	vst v5  }
0x158: {  	v5 =	vld [tilespmem:s23+$0xFFFFFF60]  }
0x159: {  	v7 =	vld [tilespmem:s23+$0xFFFFFF70]  }
0x15a: {  	v6 =	vld.idx.msk [tilespmem:v6+s4+$0x0], $0xffff  }
0x15b: {  	v8 =	vld [tilespmem:s23+$0x0]  }
0x15c: {  	v9 =	vld [tilespmem:s23+$0x10]  }
0x15d: {  	v10 =	vld [tilespmem:s23+$0x20]  }
0x15e: {  	v11 =	vld [tilespmem:s23+$0x30]  }
0x15f: {  	s25 =	sadd.s32 $0x100, s25;
	v12 =	vld [tilespmem:s23+$0x40]  }
0x160: {  	v13 =	vld [tilespmem:s23+$0x50];
	[tilespmem:s25+$0x0] =	vst v6  }
0x161: {  	v6 =	vld [tilespmem:s23+$0x60]  }
0x162: {  	v14 =	vld [tilespmem:s23+$0xFFFFFF00]  }
0x163: {  	v0 =	vld.idx.msk [tilespmem:v0+s4+$0x0], $0xffff  }
0x164: {  	v1 =	vld.idx.msk [tilespmem:v1+s4+$0x0], $0xffff  }
0x165: {  	v2 =	vld.idx.msk [tilespmem:v2+s4+$0x0], $0xffff  }
0x166: {  	v3 =	vld.idx.msk [tilespmem:v3+s4+$0x0], $0xffff  }
0x167: {  	v4 =	vld.idx.msk [tilespmem:v4+s4+$0x0], $0xffff  }
0x168: {  	v5 =	vld.idx.msk [tilespmem:v5+s4+$0x0], $0xffff  }
0x169: {  	[tilespmem:s25+$0xFFFFFF20] =	vst v0;
	v7 =	vld.idx.msk [tilespmem:v7+s4+$0x0], $0xffff  }
0x16a: {  	v14 =	vld.idx.msk [tilespmem:v14+s4+$0x0], $0xffff;
	[tilespmem:s25+$0xFFFFFF30] =	vst v1  }
0x16b: {  	[tilespmem:s25+$0xFFFFFF40] =	vst v2;
	v8 =	vld.idx.msk [tilespmem:v8+s4+$0x0], $0xffff  }
0x16c: {  	[tilespmem:s25+$0xFFFFFF50] =	vst v3;
	v0 =	vld.idx.msk [tilespmem:v9+s4+$0x0], $0xffff  }
.Ltmp11:
0x16d: {  	[tilespmem:s25+$0xFFFFFF60] =	vst v4;
	v1 =	vld.idx.msk [tilespmem:v10+s4+$0x0], $0xffff;
	(pc) =	sbr.rel @p2 .LBB2_18-.Ltmp11, $4  }
0x16e: {  	[tilespmem:s25+$0xFFFFFF70] =	vst v5;
	v2 =	vld.idx.msk [tilespmem:v11+s4+$0x0], $0xffff  }
0x16f: {  	[tilespmem:s25+$0xFFFFFF80] =	vst v7;
	v3 =	vld.idx.msk [tilespmem:v12+s4+$0x0], $0xffff  }
0x170: {  	[tilespmem:s25+$0xFFFFFF10] =	vst v14;
	v4 =	vld.idx.msk [tilespmem:v13+s4+$0x0], $0xffff  }
0x171: {  	s23 =	sadd.s32 $0x200, s23;
	[tilespmem:s25+$0xFFFFFF90] =	vst v8;
	v5 =	vld.idx.msk [tilespmem:v6+s4+$0x0], $0xffff  }
0x172: {  	[tilespmem:s25+$0xFFFFFFA0] =	vst v0  }
0x173: {  	[tilespmem:s25+$0xFFFFFFB0] =	vst v1  }
.Ltmp12:
0x174: {  	[tilespmem:s25+$0xFFFFFFC0] =	vst v2;
	(pc) =	sbr.rel @p1 .LBB2_21-.Ltmp12, $4  }
0x175: {  	[tilespmem:s25+$0xFFFFFFD0] =	vst v3  }
0x176: {  	[tilespmem:s25+$0xFFFFFFE0] =	vst v4  }
0x177: {  	s23 =	sadd.s32 s24, s9;
	[tilespmem:s25+$0xFFFFFFF0] =	vst v5  }
0x178: {  	[hbm4b:s23+s12] =	stream.strided.scatter [tilespmem:s19], [sflag:$0x2], $0x1000, s13, s12, $0x38;
	[tilespmem:$0x1E700] =	vst v63  }
.Ltmp13:
0x179: {  	(pc) =	sbr.rel .LBB2_12-.Ltmp13, $4  }
0x17a: {  	_ = 	snop  }
0x17b: {  	_ =	swait.ge [sflag:s17], $0x2000  }
0x17c: {  	[sflag:s17] =	ssyncset.done $0x0  }
0x17d: {  	s22 =	sadd.s32 $0x1, s22;
	p0 =	por !p0, !p0;
	[sflag:s17] =	ssyncadd.s32 $0xFFFFE000  }
.LBB2_22:
0x17e: {  	_ =	sfence.sel $0x180000  }
0x17f: {  	[bflag:$0x0] =	sbarrier.arrive $0xFFFF  }
0x180: {  	p0 =	sne.s32 s2, $0x0;
	_ =	strace $0x90000047  }
0x181: {  	s0 =	sadd.s32 @!p0 $0x100000, s0;
	[bflag:$0x2] =	sbarrier.arrive $0xFFFF  }
0x182: {  	[sflag:s0] =	ssyncadd.tile.s32 @!p0 $0x1;
	_ =	shalt  }
.Lfunc_end2:
_tile_overlayer_lowered:
.L_overlay_start_2:
0x183: {  	(tag) =	ssettag $0x2  }
0x184: {  	s0 =	rddreg [dreg:$0x0];
	s2 =	stileid.u32  }
0x185: {  	s1 =	rddreg [dreg:$0x1];
	p0 =	sne.s32 s2, $0x0  }
0x186: {  	s3 =	rddreg [dreg:$0x2];
	[bflag:$0x3] =	sbarrier.arrive $0xFFFF;
	s2 =	simm.s32 @!p0 $0x1C03  }
0x187: {  	[timem:s3], [sflag:s2] =	dma.local @!p0 [hbm:s0], s1  }
0x188: {  	s0 =	simm.s32 @!p0 $0x3  }
0x189: {  	_ =	swait.ge @!p0 [sflag:s0], s1  }
0x18a: {  	s1 =	ssub.s32 @!p0 $0x0, s1;
	[sflag:s0] =	ssyncset.done @!p0 $0x0  }
0x18b: {  	[sflag:s0] =	ssyncadd.s32 @!p0 s1  }
0x18c: {  	[bflag:$0x3] =	sbarrier.arrive $0xFFFF  }
0x18d: {  	_ =	shalt  }

</sc_bundles>
